<compile_context>
chip_gen: v7x
topology: tpu7x:2x2x1
jax: 0.10.2.dev20260603
libtpu: 0.0.44.dev20260713+nightly
codegen_flags: <defaults>
</compile_context>

<pallas_src>
import functools

import jax
import jax.numpy as jnp
from jax import lax
from jax.experimental import pallas as pl
from jax.experimental.pallas import tpu as pltpu
from jax.experimental.pallas import tpu_sc as plsc

NN = 10000
DD = 128
EE = 320000
NC = 2
NS = 16
NW = NC * NS
CHUNK = 80
CH = 128
NCHUNK = NW * CH
EPAD = NCHUNK * CHUNK
CH0 = 128
CH1 = 128
C0TOT = NS * CH0
NCHUNK_A = NS * (CH0 + CH1)
NROW_A = NCHUNK_A + (CH0 - CH1)
EPAD_A = NROW_A * CHUNK
NPAD = 10112
RPT = NPAD // NS
ZR = 8
NBUF = 2
RB = NPAD // 8


def _sc_mesh():
    return plsc.VectorSubcoreMesh(
        core_axis_name="c", subcore_axis_name="s", num_cores=NC, num_subcores=NS
    )


def _sc_count(idx2d):

    @functools.partial(
        pl.kernel,
        out_type=jax.ShapeDtypeStruct((NC, NPAD, 16), jnp.float32),
        mesh=_sc_mesh(),
        compiler_params=pltpu.CompilerParams(use_tc_tiling_on_sc=False),
        scratch_types=[
            pltpu.VMEM((CH, CHUNK), jnp.int32),
            pltpu.VMEM((CHUNK, 16), jnp.float32),
            pltpu.VMEM((ZR, 16), jnp.float32),
            pltpu.VMEM_SHARED((NPAD, 16), jnp.float32),
        ],
    )
    def cnt_kernel(idx_hbm, cnt_hbm, idx_v, ones_v, zero_v, acc):
        c = lax.axis_index("c")
        s = lax.axis_index("s")
        wid = s * NC + c
        ones16 = jnp.ones((16,), jnp.float32)
        zeros16 = jnp.zeros((16,), jnp.float32)

        def fill_ones(i, carry):
            ones_v[i] = ones16
            return carry

        lax.fori_loop(0, CHUNK, fill_ones, 0)

        def fill_zeros(i, carry):
            zero_v[i] = zeros16
            return carry

        lax.fori_loop(0, ZR, fill_zeros, 0)

        base = s * RPT

        def zinit(i, carry):
            pltpu.sync_copy(zero_v, acc.at[pl.ds(base + i * ZR, ZR)])
            return carry

        lax.fori_loop(0, RPT // ZR, zinit, 0)
        plsc.subcore_barrier()

        pltpu.sync_copy(idx_hbm.at[pl.ds(wid * CH, CH)], idx_v)

        def body(j, carry):
            pltpu.sync_copy(ones_v, acc.at[idx_v.at[j]], add=True)
            return carry

        lax.fori_loop(0, CH, body, 0)
        plsc.subcore_barrier()

        pltpu.sync_copy(acc.at[pl.ds(base, RPT)],
                        cnt_hbm.at[c, pl.ds(base, RPT)])

    return cnt_kernel(idx2d)


def _sc_agg(y, src2d, dst2d):

    @functools.partial(
        pl.kernel,
        out_type=jax.ShapeDtypeStruct((NC, NPAD, DD), jnp.float32),
        mesh=_sc_mesh(),
        compiler_params=pltpu.CompilerParams(use_tc_tiling_on_sc=False),
        scratch_types=[
            pltpu.VMEM((CH0, CHUNK), jnp.int32),
            pltpu.VMEM((CH0, CHUNK), jnp.int32),
            pltpu.VMEM_SHARED((NPAD, DD), jnp.float32),
            [pltpu.SemaphoreType.DMA] * 2,
        ],
    )
    def agg_kernel(y_hbm, src_hbm, dst_hbm, p_hbm, src_v, dst_v, acc, gsems):
        c = lax.axis_index("c")
        s = lax.axis_index("s")
        is0 = c == 0
        mych = jnp.where(is0, CH0, CH1)
        mybase = jnp.where(is0, s * CH0, C0TOT + s * CH1)
        zeros16 = jnp.zeros((16,), jnp.float32)

        def scoped(rows0, rows1):
            rows = (rows0, rows1)

            def fz(i, carry):
                rows0[i // 8, pl.ds((i % 8) * 16, 16)] = zeros16
                return carry

            lax.fori_loop(0, ZR * 8, fz, 0)

            base = s * RPT
            zsrc = rows0.at[pl.ds(0, ZR)]

            def zinit(i, carry):
                pltpu.async_copy(zsrc, acc.at[pl.ds(base + i * ZR, ZR)],
                                 gsems[0])
                return carry

            lax.fori_loop(0, RPT // ZR, zinit, 0)
            pltpu.async_copy(src_hbm.at[pl.ds(mybase, CH0)], src_v, gsems[1])

            def zdrain(i, carry):
                pltpu.make_async_copy(zsrc, acc.at[pl.ds(base + i * ZR, ZR)],
                                      gsems[0]).wait()
                return carry

            lax.fori_loop(0, RPT // ZR, zdrain, 0)
            plsc.subcore_barrier()

            pltpu.make_async_copy(src_hbm.at[pl.ds(mybase, CH0)], src_v,
                                  gsems[1]).wait()
            pltpu.sync_copy(dst_hbm.at[pl.ds(mybase, CH0)], dst_v)

            pltpu.async_copy(y_hbm.at[src_v.at[0]], rows0, gsems[0])
            pltpu.async_copy(y_hbm.at[src_v.at[1]], rows1, gsems[1])

            def body(g, carry):
                for b in range(2):
                    j = g * 2 + b
                    pltpu.make_async_copy(y_hbm.at[src_v.at[j]], rows[b],
                                          gsems[b]).wait()
                    pltpu.sync_copy(rows[b], acc.at[dst_v.at[j]], add=True)

                    @pl.when(j + 2 < mych)
                    def _():
                        pltpu.async_copy(y_hbm.at[src_v.at[j + 2]], rows[b],
                                         gsems[b])

                return carry

            lax.fori_loop(0, mych // 2, body, 0)
            plsc.subcore_barrier()

            pltpu.sync_copy(acc.at[pl.ds(base, RPT)],
                            p_hbm.at[c, pl.ds(base, RPT)])

        pl.run_scoped(
            scoped,
            pltpu.VMEM((CHUNK, DD), jnp.float32),
            pltpu.VMEM((CHUNK, DD), jnp.float32),
        )

    return agg_kernel(y, src2d, dst2d)


def _tc_norm_matmul(xp, W1, cs0, cs1, cd0, cd1):

    def body(x_ref, w_ref, cs0_ref, cs1_ref, cd0_ref, cd1_ref,
             y_ref, so_ref, si_ref):
        deg_o = jnp.maximum(cs0_ref[:, 0:1] + cs1_ref[:, 0:1], 1.0)
        deg_i = jnp.maximum(cd0_ref[:, 0:1] + cd1_ref[:, 0:1], 1.0)
        so = jnp.broadcast_to(lax.rsqrt(deg_o), (RB, DD))
        si = jnp.broadcast_to(lax.rsqrt(deg_i), (RB, DD))
        y = jnp.dot(x_ref[...], w_ref[...], preferred_element_type=jnp.float32,
                    precision=lax.Precision.HIGHEST)
        y_ref[...] = y * so
        so_ref[...] = so
        si_ref[...] = si

    row = pl.BlockSpec((RB, DD), lambda i: (i, 0))
    cnt = pl.BlockSpec((RB, 16), lambda i: (i, 0))
    full = pl.BlockSpec((DD, DD), lambda i: (0, 0))
    shape = jax.ShapeDtypeStruct((NPAD, DD), jnp.float32)
    return pl.pallas_call(
        body,
        grid=(NPAD // RB,),
        in_specs=[row, full, cnt, cnt, cnt, cnt],
        out_specs=[row, row, row],
        out_shape=[shape, shape, shape],
    )(xp, W1, cs0, cs1, cd0, cd1)


def _tc_mid(p0, p1, si, so, b1, W2):

    def body(p0_ref, p1_ref, si_ref, so_ref, b_ref, w_ref, y_ref):
        agg = (p0_ref[...] + p1_ref[...]) * si_ref[...]
        h = agg + b_ref[...]
        h = jnp.where(h >= 0, h, h * jnp.float32(0.01))
        y = jnp.dot(h, w_ref[...], preferred_element_type=jnp.float32,
                    precision=lax.Precision.HIGHEST)
        y_ref[...] = y * so_ref[...]

    row = pl.BlockSpec((RB, DD), lambda i: (i, 0))
    bias = pl.BlockSpec((1, DD), lambda i: (0, 0))
    full = pl.BlockSpec((DD, DD), lambda i: (0, 0))
    return pl.pallas_call(
        body,
        grid=(NPAD // RB,),
        in_specs=[row, row, row, row, bias, full],
        out_specs=row,
        out_shape=jax.ShapeDtypeStruct((NPAD, DD), jnp.float32),
    )(p0, p1, si, so, b1, W2)


def _tc_final(p0, p1, si, b2):

    def body(p0_ref, p1_ref, si_ref, b_ref, y_ref):
        y_ref[...] = (p0_ref[...] + p1_ref[...]) * si_ref[...] + b_ref[...]

    row = pl.BlockSpec((RB, DD), lambda i: (i, 0))
    bias = pl.BlockSpec((1, DD), lambda i: (0, 0))
    return pl.pallas_call(
        body,
        grid=(NPAD // RB,),
        in_specs=[row, row, row, bias],
        out_specs=row,
        out_shape=jax.ShapeDtypeStruct((NPAD, DD), jnp.float32),
    )(p0, p1, si, b2)


def kernel(x, edge_index, W1, b1, W2, b2):
    src = edge_index[0]
    dst = edge_index[1]
    fill = jnp.full((EPAD - EE,), NN, dtype=jnp.int32)
    src2d = jnp.concatenate([src, fill]).reshape(NCHUNK, CHUNK)
    dst2d = jnp.concatenate([dst, fill]).reshape(NCHUNK, CHUNK)
    fill_a = jnp.full((EPAD_A - EE,), NN, dtype=jnp.int32)
    src2a = jnp.concatenate([src, fill_a]).reshape(NROW_A, CHUNK)
    dst2a = jnp.concatenate([dst, fill_a]).reshape(NROW_A, CHUNK)
    xp = jnp.zeros((NPAD, DD), jnp.float32).at[:NN].set(x)

    cnt_s = _sc_count(src2d)
    cnt_d = _sc_count(dst2d)
    y1, so, si = _tc_norm_matmul(xp, W1, cnt_s[0], cnt_s[1],
                                 cnt_d[0], cnt_d[1])
    p1 = _sc_agg(y1, src2a, dst2a)
    y2 = _tc_mid(p1[0], p1[1], si, so, b1.reshape(1, DD), W2)
    p2 = _sc_agg(y2, src2a, dst2a)
    out = _tc_final(p2[0], p2[1], si, b2.reshape(1, DD))
    return out[:NN]

# --- scband reference (transcript-rebuilt; emitter-appended) ---
"""Pipeline reference for scband-gcn-8589935121 (READ-ONLY COPY).

The authoritative reference and input builder live on the scoring server;
editing this copy changes nothing except your own understanding.
"""

import jax, jax.numpy as jnp
import numpy as np

N = 10000
E = 320000
D_IN = 128
D_H = 128
D_OUT = 128


def setup_inputs(seed: int = 0):
    key = jax.random.key(seed)
    ks = jax.random.split(key, 4)
    x = jax.random.normal(ks[0], (N, D_IN), dtype=jnp.float32)
    edge_index = jax.random.randint(ks[1], (2, E), 0, N, dtype=jnp.int32)
    W1 = jax.random.normal(ks[2], (D_IN, D_H), dtype=jnp.float32) * (1.0 / np.sqrt(D_IN))
    b1 = jnp.zeros((D_H,), dtype=jnp.float32)
    W2 = jax.random.normal(ks[3], (D_H, D_OUT), dtype=jnp.float32) * (1.0 / np.sqrt(D_H))
    b2 = jnp.zeros((D_OUT,), dtype=jnp.float32)
    return {"x": x, "edge_index": edge_index, "W1": W1, "b1": b1, "W2": W2, "b2": b2}


def _graph_conv(x, src, dst, W, b):
    # DGL GraphConv with norm='both', allow_zero_in_degree=True
    out_deg = jnp.clip(jnp.bincount(src, length=N), 1).astype(x.dtype)
    in_deg = jnp.clip(jnp.bincount(dst, length=N), 1).astype(x.dtype)
    h = x * (out_deg ** -0.5)[:, None]
    agg = jax.ops.segment_sum(h[src], dst, num_segments=N)
    agg = agg * (in_deg ** -0.5)[:, None]
    return agg @ W + b


def reference(x, edge_index, W1, b1, W2, b2):
    src = edge_index[0]
    dst = edge_index[1]
    h = _graph_conv(x, src, dst, W1, b1)
    h = jax.nn.leaky_relu(h, negative_slope=0.01)
    h = _graph_conv(h, src, dst, W2, b2)
    return h

if __name__ == "__main__":
    import jax
    _d = setup_inputs()
    print(jax.jit(kernel)(*tuple(_d.values())))

</pallas_src>

<mosaic_0001>
#map = affine_map<(d0, d1) -> (0, 0)>
#map1 = affine_map<(d0, d1) -> (0, 0, 0)>
module attributes {stable_mosaic.version = 14 : i64} {
  func.func @agg_kernel(%arg0: i32, %arg1: i32, %arg2: memref<10112x128xf32, #tpu.memory_space<hbm>>, %arg3: memref<4096x80xi32, #tpu.memory_space<hbm>>, %arg4: memref<4096x80xi32, #tpu.memory_space<hbm>>, %arg5: memref<2x10112x128xf32, #tpu.memory_space<hbm>>, %arg6: memref<128x80xi32, #tpu.memory_space<vmem>>, %arg7: memref<128x80xi32, #tpu.memory_space<vmem>>, %arg8: memref<10112x128xf32, #tpu.memory_space<vmem_shared>>, %arg9: memref<!tpu.dma_semaphore, #tpu.memory_space<semaphore_mem>>, %arg10: memref<!tpu.dma_semaphore, #tpu.memory_space<semaphore_mem>>) attributes {dimension_semantics = [#tpu.dimension_semantics<core_parallel>, #tpu.dimension_semantics<subcore_parallel>], iteration_bounds = array<i64: 2, 16>, scalar_prefetch = 0 : i64, scratch_operands = 5 : i64, tpu.core_type = #tpu.core_type<sc_vector_subcore>, window_params = [{transform_indices = #map}, {transform_indices = #map}, {transform_indices = #map}, {transform_indices = #map1}]} {
    %eq3A = arith.constant 0 : i32
    %eq3A_0 = arith.cmpi eq, %arg0, %eq3A : i32
    %jit3A = arith.constant 128 : i32
    %jit3A_1 = arith.constant 128 : i32
    %select_n3A = arith.select %eq3A_0, %jit3A, %jit3A_1 : i32
    %mul3A = arith.constant 128 : i32
    %mul3A_2 = arith.muli %arg1, %mul3A : i32
    %mul3A_3 = arith.constant 128 : i32
    %mul3A_4 = arith.muli %arg1, %mul3A_3 : i32
    %add3A = arith.constant 2048 : i32
    %add3A_5 = arith.addi %add3A, %mul3A_4 : i32
    %select_n3A_6 = arith.select %eq3A_0, %mul3A_2, %add3A_5 : i32
    %broadcast_in_dim3A = arith.constant 0.000000e+00 : f32
    %broadcast_in_dim3A_7 = vector.broadcast %broadcast_in_dim3A : f32 to vector<16xf32>
    "tpu.region"() ({
      %run_scoped3A = memref.alloca() : memref<80x128xf32, #tpu.memory_space<vmem>>
      %run_scoped3A_8 = memref.alloca() : memref<80x128xf32, #tpu.memory_space<vmem>>
      %scan3A = arith.constant 0 : i32
      %scan3A_9 = arith.constant 0 : i32
      %scan3A_10 = arith.constant 64 : i32
      %scan3A_11 = arith.addi %scan3A_9, %scan3A_10 : i32
      %scan3A_12 = arith.constant 1 : i32
      scf.for %scan3A_76 = %scan3A_9 to %scan3A_11 step %scan3A_12  : i32 {
        %jit3A_77 = arith.constant 8 : i32
        %div3A_78 = arith.divsi %scan3A_76, %jit3A_77 : i32
        %sign3A_79 = arith.constant 0 : i32
        %sign3A_80 = arith.cmpi sgt, %scan3A_76, %sign3A_79 : i32
        %sign3A_81 = arith.extui %sign3A_80 : i1 to i32
        %sign3A_82 = arith.constant 0 : i32
        %sign3A_83 = arith.cmpi slt, %scan3A_76, %sign3A_82 : i32
        %sign3A_84 = arith.extui %sign3A_83 : i1 to i32
        %sign3A_85 = arith.subi %sign3A_81, %sign3A_84 : i32
        %sign3A_86 = arith.constant 0 : i32
        %sign3A_87 = arith.cmpi sgt, %jit3A_77, %sign3A_86 : i32
        %sign3A_88 = arith.extui %sign3A_87 : i1 to i32
        %sign3A_89 = arith.constant 0 : i32
        %sign3A_90 = arith.cmpi slt, %jit3A_77, %sign3A_89 : i32
        %sign3A_91 = arith.extui %sign3A_90 : i1 to i32
        %sign3A_92 = arith.subi %sign3A_88, %sign3A_91 : i32
        %ne3A_93 = arith.cmpi ne, %sign3A_85, %sign3A_92 : i32
        %rem3A_94 = arith.remsi %scan3A_76, %jit3A_77 : i32
        %ne3A_95 = arith.constant 0 : i32
        %ne3A_96 = arith.cmpi ne, %rem3A_94, %ne3A_95 : i32
        %and3A_97 = arith.andi %ne3A_93, %ne3A_96 : i1
        %sub3A_98 = arith.constant 1 : i32
        %sub3A_99 = arith.subi %div3A_78, %sub3A_98 : i32
        %select_n3A_100 = arith.select %and3A_97, %sub3A_99, %div3A_78 : i32
        %jit3A_101 = arith.constant 8 : i32
        %eq3A_102 = arith.constant 0 : i32
        %eq3A_103 = arith.cmpi eq, %jit3A_101, %eq3A_102 : i32
        %jit3A_104 = arith.constant 1 : i32
        %select_n3A_105 = arith.select %eq3A_103, %jit3A_104, %jit3A_101 : i32
        %rem3A_106 = arith.remsi %scan3A_76, %select_n3A_105 : i32
        %ne3A_107 = arith.constant 0 : i32
        %ne3A_108 = arith.cmpi ne, %rem3A_106, %ne3A_107 : i32
        %lt3A = arith.constant 0 : i32
        %lt3A_109 = arith.cmpi slt, %rem3A_106, %lt3A : i32
        %lt3A_110 = arith.constant 0 : i32
        %lt3A_111 = arith.cmpi slt, %select_n3A_105, %lt3A_110 : i32
        %ne3A_112 = arith.xori %lt3A_109, %lt3A_111 : i1
        %and3A_113 = arith.andi %ne3A_112, %ne3A_108 : i1
        %add3A_114 = arith.addi %rem3A_106, %select_n3A_105 : i32
        %select_n3A_115 = arith.select %and3A_113, %add3A_114, %rem3A_106 : i32
        %mul3A_116 = arith.constant 16 : i32
        %mul3A_117 = arith.muli %select_n3A_115, %mul3A_116 : i32
        %swap3A = arith.index_cast %select_n3A_100 : i32 to index
        %swap3A_118 = arith.index_cast %mul3A_117 : i32 to index
        %swap3A_119 = tpu.vector_load %run_scoped3A[%swap3A, %swap3A_118] {strides = array<i32>} : memref<80x128xf32, #tpu.memory_space<vmem>>, vector<1x16xf32>,
        %swap3A_120 = vector.shape_cast %swap3A_119 : vector<1x16xf32> to vector<16xf32>
        %swap3A_121 = vector.shape_cast %broadcast_in_dim3A_7 : vector<16xf32> to vector<1x16xf32>
        tpu.vector_store %run_scoped3A[%swap3A, %swap3A_118], %swap3A_121 {strides = array<i32>} : memref<80x128xf32, #tpu.memory_space<vmem>>, vector<1x16xf32>,
      }
      %scan3A_13 = arith.constant 64 : i32
      %mul3A_14 = arith.constant 632 : i32
      %mul3A_15 = arith.muli %arg1, %mul3A_14 : i32
      %scan3A_16 = arith.constant 0 : i32
      %scan3A_17 = arith.constant 0 : i32
      %scan3A_18 = arith.constant 79 : i32
      %scan3A_19 = arith.addi %scan3A_17, %scan3A_18 : i32
      %scan3A_20 = arith.constant 1 : i32
      scf.for %scan3A_76 = %scan3A_17 to %scan3A_19 step %scan3A_20  : i32 {
        %mul3A_77 = arith.constant 8 : i32
        %mul3A_78 = arith.muli %scan3A_76, %mul3A_77 : i32
        %add3A_79 = arith.addi %mul3A_15, %mul3A_78 : i32
        %dma_start3A_80 = arith.constant 0 : i32
        %dma_start3A_81 = arith.constant 0 : i32
        %dma_start3A_82 = tpu.memref_slice %run_scoped3A[%dma_start3A_80, %dma_start3A_81] : memref<80x128xf32, #tpu.memory_space<vmem>> -> memref<8x128xf32, #tpu.memory_space<vmem>>
        %dma_start3A_83 = arith.constant 0 : i32
        %dma_start3A_84 = tpu.memref_slice %arg8[%add3A_79, %dma_start3A_83] : memref<10112x128xf32, #tpu.memory_space<vmem_shared>> -> memref<8x128xf32, #tpu.memory_space<vmem_shared>>
        %dma_start3A_85 = arith.constant 0 : i32
        %dma_start3A_86 = tpu.memref_slice %arg8[%add3A_79, %dma_start3A_85] : memref<10112x128xf32, #tpu.memory_space<vmem_shared>> -> memref<8x128xf32, #tpu.memory_space<vmem_shared>>
        %dma_start3A_87 = arith.constant 0 : i32
        %dma_start3A_88 = arith.constant 0 : i32
        %dma_start3A_89 = tpu.memref_slice %run_scoped3A[%dma_start3A_87, %dma_start3A_88] : memref<80x128xf32, #tpu.memory_space<vmem>> -> memref<8x128xf32, #tpu.memory_space<vmem>>
        tpu.enqueue_dma source(%dma_start3A_89 : memref<8x128xf32, #tpu.memory_space<vmem>>) target(%dma_start3A_86 : memref<8x128xf32, #tpu.memory_space<vmem_shared>>) target_semaphore(%arg9 : memref<!tpu.dma_semaphore, #tpu.memory_space<semaphore_mem>>)
      }
      %scan3A_21 = arith.constant 79 : i32
      %dma_start3A = arith.constant 0 : i32
      %dma_start3A_22 = tpu.memref_slice %arg3[%select_n3A_6, %dma_start3A] : memref<4096x80xi32, #tpu.memory_space<hbm>> -> memref<128x80xi32, #tpu.memory_space<hbm>>
      %dma_start3A_23 = arith.constant 0 : i32
      %dma_start3A_24 = tpu.memref_slice %arg3[%select_n3A_6, %dma_start3A_23] : memref<4096x80xi32, #tpu.memory_space<hbm>> -> memref<128x80xi32, #tpu.memory_space<hbm>>
      tpu.enqueue_dma source(%dma_start3A_24 : memref<128x80xi32, #tpu.memory_space<hbm>>) target(%arg6 : memref<128x80xi32, #tpu.memory_space<vmem>>) target_semaphore(%arg10 : memref<!tpu.dma_semaphore, #tpu.memory_space<semaphore_mem>>)
      %scan3A_25 = arith.constant 0 : i32
      %scan3A_26 = arith.constant 0 : i32
      %scan3A_27 = arith.constant 79 : i32
      %scan3A_28 = arith.addi %scan3A_26, %scan3A_27 : i32
      %scan3A_29 = arith.constant 1 : i32
      scf.for %scan3A_76 = %scan3A_26 to %scan3A_28 step %scan3A_29  : i32 {
        %mul3A_77 = arith.constant 8 : i32
        %mul3A_78 = arith.muli %scan3A_76, %mul3A_77 : i32
        %add3A_79 = arith.addi %mul3A_15, %mul3A_78 : i32
        %dma_wait3A_80 = arith.constant 0 : i32
        %dma_wait3A_81 = arith.constant 0 : i32
        %dma_wait3A_82 = tpu.memref_slice %run_scoped3A[%dma_wait3A_80, %dma_wait3A_81] : memref<80x128xf32, #tpu.memory_space<vmem>> -> memref<8x128xf32, #tpu.memory_space<vmem>>
        %dma_wait3A_83 = arith.constant 0 : i32
        %dma_wait3A_84 = tpu.memref_slice %arg8[%add3A_79, %dma_wait3A_83] : memref<10112x128xf32, #tpu.memory_space<vmem_shared>> -> memref<8x128xf32, #tpu.memory_space<vmem_shared>>
        %dma_wait3A_85 = arith.constant 0 : i32
        %dma_wait3A_86 = tpu.memref_slice %arg8[%add3A_79, %dma_wait3A_85] : memref<10112x128xf32, #tpu.memory_space<vmem_shared>> -> memref<8x128xf32, #tpu.memory_space<vmem_shared>>
        %dma_wait3A_87 = arith.constant 0 : i32
        %dma_wait3A_88 = arith.constant 0 : i32
        %dma_wait3A_89 = tpu.memref_slice %run_scoped3A[%dma_wait3A_87, %dma_wait3A_88] : memref<80x128xf32, #tpu.memory_space<vmem>> -> memref<8x128xf32, #tpu.memory_space<vmem>>
        tpu.wait_dma2 semaphore(%arg9 : memref<!tpu.dma_semaphore, #tpu.memory_space<semaphore_mem>>) src(%dma_wait3A_89 : memref<8x128xf32, #tpu.memory_space<vmem>>) dst(%dma_wait3A_86 : memref<8x128xf32, #tpu.memory_space<vmem_shared>>)
      }
      %scan3A_30 = arith.constant 79 : i32
      %barrier3A = arith.constant 0 : index
      tpu.barrier barrier_id(%barrier3A)
      %dma_wait3A = arith.constant 0 : i32
      %dma_wait3A_31 = tpu.memref_slice %arg3[%select_n3A_6, %dma_wait3A] : memref<4096x80xi32, #tpu.memory_space<hbm>> -> memref<128x80xi32, #tpu.memory_space<hbm>>
      %dma_wait3A_32 = arith.constant 0 : i32
      %dma_wait3A_33 = tpu.memref_slice %arg3[%select_n3A_6, %dma_wait3A_32] : memref<4096x80xi32, #tpu.memory_space<hbm>> -> memref<128x80xi32, #tpu.memory_space<hbm>>
      tpu.wait_dma2 semaphore(%arg10 : memref<!tpu.dma_semaphore, #tpu.memory_space<semaphore_mem>>) src(%dma_wait3A_33 : memref<128x80xi32, #tpu.memory_space<hbm>>) dst(%arg6 : memref<128x80xi32, #tpu.memory_space<vmem>>)
      "tpu.region"() ({
        %run_scoped3A_76 = tpu.sem_alloc : memref<!tpu.dma_semaphore, #tpu.memory_space<semaphore_mem>>
        %dma_start3A_77 = arith.constant 0 : i32
        %dma_start3A_78 = tpu.memref_slice %arg4[%select_n3A_6, %dma_start3A_77] : memref<4096x80xi32, #tpu.memory_space<hbm>> -> memref<128x80xi32, #tpu.memory_space<hbm>>
        %dma_start3A_79 = arith.constant 0 : i32
        %dma_start3A_80 = tpu.memref_slice %arg4[%select_n3A_6, %dma_start3A_79] : memref<4096x80xi32, #tpu.memory_space<hbm>> -> memref<128x80xi32, #tpu.memory_space<hbm>>
        tpu.enqueue_dma source(%dma_start3A_80 : memref<128x80xi32, #tpu.memory_space<hbm>>) target(%arg7 : memref<128x80xi32, #tpu.memory_space<vmem>>) target_semaphore(%run_scoped3A_76 : memref<!tpu.dma_semaphore, #tpu.memory_space<semaphore_mem>>)
        %dma_wait3A_81 = arith.constant 0 : i32
        %dma_wait3A_82 = tpu.memref_slice %arg4[%select_n3A_6, %dma_wait3A_81] : memref<4096x80xi32, #tpu.memory_space<hbm>> -> memref<128x80xi32, #tpu.memory_space<hbm>>
        %dma_wait3A_83 = arith.constant 0 : i32
        %dma_wait3A_84 = tpu.memref_slice %arg4[%select_n3A_6, %dma_wait3A_83] : memref<4096x80xi32, #tpu.memory_space<hbm>> -> memref<128x80xi32, #tpu.memory_space<hbm>>
        tpu.wait_dma2 semaphore(%run_scoped3A_76 : memref<!tpu.dma_semaphore, #tpu.memory_space<semaphore_mem>>) src(%dma_wait3A_84 : memref<128x80xi32, #tpu.memory_space<hbm>>) dst(%arg7 : memref<128x80xi32, #tpu.memory_space<vmem>>)
        tpu.yield
      }) : () -> ()
      %dma_start3A_34 = arith.constant 0 : i32
      %dma_start3A_35 = arith.constant 0 : i32
      %dma_start3A_36 = tpu.memref_slice %arg6[%dma_start3A_34, %dma_start3A_35] : memref<128x80xi32, #tpu.memory_space<vmem>> -> memref<1x80xi32, #tpu.memory_space<vmem>>
      %dma_start3A_37 = tpu.memref_squeeze %dma_start3A_36 : memref<1x80xi32, #tpu.memory_space<vmem>> -> memref<80xi32, #tpu.memory_space<vmem>>
      %dma_start3A_38 = arith.constant 0 : i32
      %dma_start3A_39 = arith.constant 0 : i32
      %dma_start3A_40 = tpu.memref_slice %arg2[%dma_start3A_38, %dma_start3A_39] : memref<10112x128xf32, #tpu.memory_space<hbm>> -> memref<10112x128xf32, #tpu.memory_space<hbm>>
      tpu.enqueue_indirect_dma source(%dma_start3A_40 : memref<10112x128xf32, #tpu.memory_space<hbm>>) target(%run_scoped3A : memref<80x128xf32, #tpu.memory_space<vmem>>) offsets(%dma_start3A_37 : memref<80xi32, #tpu.memory_space<vmem>>) semaphore(%arg9 : memref<!tpu.dma_semaphore, #tpu.memory_space<semaphore_mem>>)
      %dma_start3A_41 = arith.constant 1 : i32
      %dma_start3A_42 = arith.constant 0 : i32
      %dma_start3A_43 = tpu.memref_slice %arg6[%dma_start3A_41, %dma_start3A_42] : memref<128x80xi32, #tpu.memory_space<vmem>> -> memref<1x80xi32, #tpu.memory_space<vmem>>
      %dma_start3A_44 = tpu.memref_squeeze %dma_start3A_43 : memref<1x80xi32, #tpu.memory_space<vmem>> -> memref<80xi32, #tpu.memory_space<vmem>>
      %dma_start3A_45 = arith.constant 0 : i32
      %dma_start3A_46 = arith.constant 0 : i32
      %dma_start3A_47 = tpu.memref_slice %arg2[%dma_start3A_45, %dma_start3A_46] : memref<10112x128xf32, #tpu.memory_space<hbm>> -> memref<10112x128xf32, #tpu.memory_space<hbm>>
      tpu.enqueue_indirect_dma source(%dma_start3A_47 : memref<10112x128xf32, #tpu.memory_space<hbm>>) target(%run_scoped3A_8 : memref<80x128xf32, #tpu.memory_space<vmem>>) offsets(%dma_start3A_44 : memref<80xi32, #tpu.memory_space<vmem>>) semaphore(%arg10 : memref<!tpu.dma_semaphore, #tpu.memory_space<semaphore_mem>>)
      %jit3A_48 = arith.constant 2 : i32
      %div3A = arith.divsi %select_n3A, %jit3A_48 : i32
      %sign3A = arith.constant 0 : i32
      %sign3A_49 = arith.cmpi sgt, %select_n3A, %sign3A : i32
      %sign3A_50 = arith.extui %sign3A_49 : i1 to i32
      %sign3A_51 = arith.constant 0 : i32
      %sign3A_52 = arith.cmpi slt, %select_n3A, %sign3A_51 : i32
      %sign3A_53 = arith.extui %sign3A_52 : i1 to i32
      %sign3A_54 = arith.subi %sign3A_50, %sign3A_53 : i32
      %sign3A_55 = arith.constant 0 : i32
      %sign3A_56 = arith.cmpi sgt, %jit3A_48, %sign3A_55 : i32
      %sign3A_57 = arith.extui %sign3A_56 : i1 to i32
      %sign3A_58 = arith.constant 0 : i32
      %sign3A_59 = arith.cmpi slt, %jit3A_48, %sign3A_58 : i32
      %sign3A_60 = arith.extui %sign3A_59 : i1 to i32
      %sign3A_61 = arith.subi %sign3A_57, %sign3A_60 : i32
      %ne3A = arith.cmpi ne, %sign3A_54, %sign3A_61 : i32
      %rem3A = arith.remsi %select_n3A, %jit3A_48 : i32
      %ne3A_62 = arith.constant 0 : i32
      %ne3A_63 = arith.cmpi ne, %rem3A, %ne3A_62 : i32
      %and3A = arith.andi %ne3A, %ne3A_63 : i1
      %sub3A = arith.constant 1 : i32
      %sub3A_64 = arith.subi %div3A, %sub3A : i32
      %select_n3A_65 = arith.select %and3A, %sub3A_64, %div3A : i32
      %while3A = arith.constant 0 : i32
      %while3A_66 = arith.constant 0 : i32
      %while3A_67 = arith.subi %select_n3A_65, %while3A_66 : i32
      %while3A_68 = arith.addi %while3A_66, %while3A_67 : i32
      %while3A_69 = arith.constant 1 : i32
      %while3A_70 = arith.divsi %while3A_67, %while3A_69 : i32
      %while3A_71 = arith.muli %while3A_70, %while3A_69 : i32
      %while3A_72 = arith.addi %while3A_66, %while3A_71 : i32
      %while3A_73 = arith.constant 1 : i32
      scf.for %while3A_76 = %while3A_66 to %while3A_72 step %while3A_73  : i32 {
        %mul3A_77 = arith.constant 2 : i32
        %mul3A_78 = arith.muli %while3A_76, %mul3A_77 : i32
        %add3A_79 = arith.constant 0 : i32
        %add3A_80 = arith.addi %mul3A_78, %add3A_79 : i32
        %dma_wait3A_81 = arith.constant 0 : i32
        %dma_wait3A_82 = tpu.memref_slice %arg6[%add3A_80, %dma_wait3A_81] : memref<128x80xi32, #tpu.memory_space<vmem>> -> memref<1x80xi32, #tpu.memory_space<vmem>>
        %dma_wait3A_83 = tpu.memref_squeeze %dma_wait3A_82 : memref<1x80xi32, #tpu.memory_space<vmem>> -> memref<80xi32, #tpu.memory_space<vmem>>
        %dma_wait3A_84 = arith.constant 0 : i32
        %dma_wait3A_85 = arith.constant 0 : i32
        %dma_wait3A_86 = tpu.memref_slice %arg2[%dma_wait3A_84, %dma_wait3A_85] : memref<10112x128xf32, #tpu.memory_space<hbm>> -> memref<10112x128xf32, #tpu.memory_space<hbm>>
        tpu.wait_indirect_dma semaphore(%arg9 : memref<!tpu.dma_semaphore, #tpu.memory_space<semaphore_mem>>) src(%dma_wait3A_86 : memref<10112x128xf32, #tpu.memory_space<hbm>>) dst(%run_scoped3A : memref<80x128xf32, #tpu.memory_space<vmem>>)
        "tpu.region"() ({
          %run_scoped3A_106 = tpu.sem_alloc : memref<!tpu.dma_semaphore, #tpu.memory_space<semaphore_mem>>
          %dma_start3A_107 = arith.constant 0 : i32
          %dma_start3A_108 = tpu.memref_slice %arg7[%add3A_80, %dma_start3A_107] : memref<128x80xi32, #tpu.memory_space<vmem>> -> memref<1x80xi32, #tpu.memory_space<vmem>>
          %dma_start3A_109 = tpu.memref_squeeze %dma_start3A_108 : memref<1x80xi32, #tpu.memory_space<vmem>> -> memref<80xi32, #tpu.memory_space<vmem>>
          %dma_start3A_110 = arith.constant 0 : i32
          %dma_start3A_111 = arith.constant 0 : i32
          %dma_start3A_112 = tpu.memref_slice %arg8[%dma_start3A_110, %dma_start3A_111] : memref<10112x128xf32, #tpu.memory_space<vmem_shared>> -> memref<10112x128xf32, #tpu.memory_space<vmem_shared>>
          tpu.enqueue_indirect_dma source(%run_scoped3A : memref<80x128xf32, #tpu.memory_space<vmem>>) target(%dma_start3A_112 : memref<10112x128xf32, #tpu.memory_space<vmem_shared>>) offsets(%dma_start3A_109 : memref<80xi32, #tpu.memory_space<vmem>>) semaphore(%run_scoped3A_106 : memref<!tpu.dma_semaphore, #tpu.memory_space<semaphore_mem>>) {add = true}
          %dma_wait3A_113 = arith.constant 0 : i32
          %dma_wait3A_114 = tpu.memref_slice %arg7[%add3A_80, %dma_wait3A_113] : memref<128x80xi32, #tpu.memory_space<vmem>> -> memref<1x80xi32, #tpu.memory_space<vmem>>
          %dma_wait3A_115 = tpu.memref_squeeze %dma_wait3A_114 : memref<1x80xi32, #tpu.memory_space<vmem>> -> memref<80xi32, #tpu.memory_space<vmem>>
          %dma_wait3A_116 = arith.constant 0 : i32
          %dma_wait3A_117 = arith.constant 0 : i32
          %dma_wait3A_118 = tpu.memref_slice %arg8[%dma_wait3A_116, %dma_wait3A_117] : memref<10112x128xf32, #tpu.memory_space<vmem_shared>> -> memref<10112x128xf32, #tpu.memory_space<vmem_shared>>
          tpu.wait_indirect_dma semaphore(%run_scoped3A_106 : memref<!tpu.dma_semaphore, #tpu.memory_space<semaphore_mem>>) src(%run_scoped3A : memref<80x128xf32, #tpu.memory_space<vmem>>) dst(%dma_wait3A_118 : memref<10112x128xf32, #tpu.memory_space<vmem_shared>>)
          tpu.yield
        }) : () -> ()
        %add3A_87 = arith.constant 2 : i32
        %add3A_88 = arith.addi %add3A_80, %add3A_87 : i32
        %lt3A = arith.cmpi slt, %add3A_88, %select_n3A : i32
        %convert_element_type3A = arith.extui %lt3A : i1 to i32
        %cond3A = arith.constant 0 : i32
        %cond3A_89 = arith.cmpi ne, %convert_element_type3A, %cond3A : i32
        scf.if %cond3A_89 {
          %add3A_106 = arith.constant 2 : i32
          %add3A_107 = arith.addi %add3A_80, %add3A_106 : i32
          %dma_start3A_108 = arith.constant 0 : i32
          %dma_start3A_109 = tpu.memref_slice %arg6[%add3A_107, %dma_start3A_108] : memref<128x80xi32, #tpu.memory_space<vmem>> -> memref<1x80xi32, #tpu.memory_space<vmem>>
          %dma_start3A_110 = tpu.memref_squeeze %dma_start3A_109 : memref<1x80xi32, #tpu.memory_space<vmem>> -> memref<80xi32, #tpu.memory_space<vmem>>
          %dma_start3A_111 = arith.constant 0 : i32
          %dma_start3A_112 = arith.constant 0 : i32
          %dma_start3A_113 = tpu.memref_slice %arg2[%dma_start3A_111, %dma_start3A_112] : memref<10112x128xf32, #tpu.memory_space<hbm>> -> memref<10112x128xf32, #tpu.memory_space<hbm>>
          tpu.enqueue_indirect_dma source(%dma_start3A_113 : memref<10112x128xf32, #tpu.memory_space<hbm>>) target(%run_scoped3A : memref<80x128xf32, #tpu.memory_space<vmem>>) offsets(%dma_start3A_110 : memref<80xi32, #tpu.memory_space<vmem>>) semaphore(%arg9 : memref<!tpu.dma_semaphore, #tpu.memory_space<semaphore_mem>>)
        } else {
        }
        %mul3A_90 = arith.constant 2 : i32
        %mul3A_91 = arith.muli %while3A_76, %mul3A_90 : i32
        %add3A_92 = arith.constant 1 : i32
        %add3A_93 = arith.addi %mul3A_91, %add3A_92 : i32
        %dma_wait3A_94 = arith.constant 0 : i32
        %dma_wait3A_95 = tpu.memref_slice %arg6[%add3A_93, %dma_wait3A_94] : memref<128x80xi32, #tpu.memory_space<vmem>> -> memref<1x80xi32, #tpu.memory_space<vmem>>
        %dma_wait3A_96 = tpu.memref_squeeze %dma_wait3A_95 : memref<1x80xi32, #tpu.memory_space<vmem>> -> memref<80xi32, #tpu.memory_space<vmem>>
        %dma_wait3A_97 = arith.constant 0 : i32
        %dma_wait3A_98 = arith.constant 0 : i32
        %dma_wait3A_99 = tpu.memref_slice %arg2[%dma_wait3A_97, %dma_wait3A_98] : memref<10112x128xf32, #tpu.memory_space<hbm>> -> memref<10112x128xf32, #tpu.memory_space<hbm>>
        tpu.wait_indirect_dma semaphore(%arg10 : memref<!tpu.dma_semaphore, #tpu.memory_space<semaphore_mem>>) src(%dma_wait3A_99 : memref<10112x128xf32, #tpu.memory_space<hbm>>) dst(%run_scoped3A_8 : memref<80x128xf32, #tpu.memory_space<vmem>>)
        "tpu.region"() ({
          %run_scoped3A_106 = tpu.sem_alloc : memref<!tpu.dma_semaphore, #tpu.memory_space<semaphore_mem>>
          %dma_start3A_107 = arith.constant 0 : i32
          %dma_start3A_108 = tpu.memref_slice %arg7[%add3A_93, %dma_start3A_107] : memref<128x80xi32, #tpu.memory_space<vmem>> -> memref<1x80xi32, #tpu.memory_space<vmem>>
          %dma_start3A_109 = tpu.memref_squeeze %dma_start3A_108 : memref<1x80xi32, #tpu.memory_space<vmem>> -> memref<80xi32, #tpu.memory_space<vmem>>
          %dma_start3A_110 = arith.constant 0 : i32
          %dma_start3A_111 = arith.constant 0 : i32
          %dma_start3A_112 = tpu.memref_slice %arg8[%dma_start3A_110, %dma_start3A_111] : memref<10112x128xf32, #tpu.memory_space<vmem_shared>> -> memref<10112x128xf32, #tpu.memory_space<vmem_shared>>
          tpu.enqueue_indirect_dma source(%run_scoped3A_8 : memref<80x128xf32, #tpu.memory_space<vmem>>) target(%dma_start3A_112 : memref<10112x128xf32, #tpu.memory_space<vmem_shared>>) offsets(%dma_start3A_109 : memref<80xi32, #tpu.memory_space<vmem>>) semaphore(%run_scoped3A_106 : memref<!tpu.dma_semaphore, #tpu.memory_space<semaphore_mem>>) {add = true}
          %dma_wait3A_113 = arith.constant 0 : i32
          %dma_wait3A_114 = tpu.memref_slice %arg7[%add3A_93, %dma_wait3A_113] : memref<128x80xi32, #tpu.memory_space<vmem>> -> memref<1x80xi32, #tpu.memory_space<vmem>>
          %dma_wait3A_115 = tpu.memref_squeeze %dma_wait3A_114 : memref<1x80xi32, #tpu.memory_space<vmem>> -> memref<80xi32, #tpu.memory_space<vmem>>
          %dma_wait3A_116 = arith.constant 0 : i32
          %dma_wait3A_117 = arith.constant 0 : i32
          %dma_wait3A_118 = tpu.memref_slice %arg8[%dma_wait3A_116, %dma_wait3A_117] : memref<10112x128xf32, #tpu.memory_space<vmem_shared>> -> memref<10112x128xf32, #tpu.memory_space<vmem_shared>>
          tpu.wait_indirect_dma semaphore(%run_scoped3A_106 : memref<!tpu.dma_semaphore, #tpu.memory_space<semaphore_mem>>) src(%run_scoped3A_8 : memref<80x128xf32, #tpu.memory_space<vmem>>) dst(%dma_wait3A_118 : memref<10112x128xf32, #tpu.memory_space<vmem_shared>>)
          tpu.yield
        }) : () -> ()
        %add3A_100 = arith.constant 2 : i32
        %add3A_101 = arith.addi %add3A_93, %add3A_100 : i32
        %lt3A_102 = arith.cmpi slt, %add3A_101, %select_n3A : i32
        %convert_element_type3A_103 = arith.extui %lt3A_102 : i1 to i32
        %cond3A_104 = arith.constant 0 : i32
        %cond3A_105 = arith.cmpi ne, %convert_element_type3A_103, %cond3A_104 : i32
        scf.if %cond3A_105 {
          %add3A_106 = arith.constant 2 : i32
          %add3A_107 = arith.addi %add3A_93, %add3A_106 : i32
          %dma_start3A_108 = arith.constant 0 : i32
          %dma_start3A_109 = tpu.memref_slice %arg6[%add3A_107, %dma_start3A_108] : memref<128x80xi32, #tpu.memory_space<vmem>> -> memref<1x80xi32, #tpu.memory_space<vmem>>
          %dma_start3A_110 = tpu.memref_squeeze %dma_start3A_109 : memref<1x80xi32, #tpu.memory_space<vmem>> -> memref<80xi32, #tpu.memory_space<vmem>>
          %dma_start3A_111 = arith.constant 0 : i32
          %dma_start3A_112 = arith.constant 0 : i32
          %dma_start3A_113 = tpu.memref_slice %arg2[%dma_start3A_111, %dma_start3A_112] : memref<10112x128xf32, #tpu.memory_space<hbm>> -> memref<10112x128xf32, #tpu.memory_space<hbm>>
          tpu.enqueue_indirect_dma source(%dma_start3A_113 : memref<10112x128xf32, #tpu.memory_space<hbm>>) target(%run_scoped3A_8 : memref<80x128xf32, #tpu.memory_space<vmem>>) offsets(%dma_start3A_110 : memref<80xi32, #tpu.memory_space<vmem>>) semaphore(%arg10 : memref<!tpu.dma_semaphore, #tpu.memory_space<semaphore_mem>>)
        } else {
        }
      }
      %while3A_74 = arith.constant 1 : i32
      scf.for %while3A_76 = %while3A_72 to %while3A_68 step %while3A_74  : i32 {
        %mul3A_77 = arith.constant 2 : i32
        %mul3A_78 = arith.muli %while3A_76, %mul3A_77 : i32
        %add3A_79 = arith.constant 0 : i32
        %add3A_80 = arith.addi %mul3A_78, %add3A_79 : i32
        %dma_wait3A_81 = arith.constant 0 : i32
        %dma_wait3A_82 = tpu.memref_slice %arg6[%add3A_80, %dma_wait3A_81] : memref<128x80xi32, #tpu.memory_space<vmem>> -> memref<1x80xi32, #tpu.memory_space<vmem>>
        %dma_wait3A_83 = tpu.memref_squeeze %dma_wait3A_82 : memref<1x80xi32, #tpu.memory_space<vmem>> -> memref<80xi32, #tpu.memory_space<vmem>>
        %dma_wait3A_84 = arith.constant 0 : i32
        %dma_wait3A_85 = arith.constant 0 : i32
        %dma_wait3A_86 = tpu.memref_slice %arg2[%dma_wait3A_84, %dma_wait3A_85] : memref<10112x128xf32, #tpu.memory_space<hbm>> -> memref<10112x128xf32, #tpu.memory_space<hbm>>
        tpu.wait_indirect_dma semaphore(%arg9 : memref<!tpu.dma_semaphore, #tpu.memory_space<semaphore_mem>>) src(%dma_wait3A_86 : memref<10112x128xf32, #tpu.memory_space<hbm>>) dst(%run_scoped3A : memref<80x128xf32, #tpu.memory_space<vmem>>)
        "tpu.region"() ({
          %run_scoped3A_106 = tpu.sem_alloc : memref<!tpu.dma_semaphore, #tpu.memory_space<semaphore_mem>>
          %dma_start3A_107 = arith.constant 0 : i32
          %dma_start3A_108 = tpu.memref_slice %arg7[%add3A_80, %dma_start3A_107] : memref<128x80xi32, #tpu.memory_space<vmem>> -> memref<1x80xi32, #tpu.memory_space<vmem>>
          %dma_start3A_109 = tpu.memref_squeeze %dma_start3A_108 : memref<1x80xi32, #tpu.memory_space<vmem>> -> memref<80xi32, #tpu.memory_space<vmem>>
          %dma_start3A_110 = arith.constant 0 : i32
          %dma_start3A_111 = arith.constant 0 : i32
          %dma_start3A_112 = tpu.memref_slice %arg8[%dma_start3A_110, %dma_start3A_111] : memref<10112x128xf32, #tpu.memory_space<vmem_shared>> -> memref<10112x128xf32, #tpu.memory_space<vmem_shared>>
          tpu.enqueue_indirect_dma source(%run_scoped3A : memref<80x128xf32, #tpu.memory_space<vmem>>) target(%dma_start3A_112 : memref<10112x128xf32, #tpu.memory_space<vmem_shared>>) offsets(%dma_start3A_109 : memref<80xi32, #tpu.memory_space<vmem>>) semaphore(%run_scoped3A_106 : memref<!tpu.dma_semaphore, #tpu.memory_space<semaphore_mem>>) {add = true}
          %dma_wait3A_113 = arith.constant 0 : i32
          %dma_wait3A_114 = tpu.memref_slice %arg7[%add3A_80, %dma_wait3A_113] : memref<128x80xi32, #tpu.memory_space<vmem>> -> memref<1x80xi32, #tpu.memory_space<vmem>>
          %dma_wait3A_115 = tpu.memref_squeeze %dma_wait3A_114 : memref<1x80xi32, #tpu.memory_space<vmem>> -> memref<80xi32, #tpu.memory_space<vmem>>
          %dma_wait3A_116 = arith.constant 0 : i32
          %dma_wait3A_117 = arith.constant 0 : i32
          %dma_wait3A_118 = tpu.memref_slice %arg8[%dma_wait3A_116, %dma_wait3A_117] : memref<10112x128xf32, #tpu.memory_space<vmem_shared>> -> memref<10112x128xf32, #tpu.memory_space<vmem_shared>>
          tpu.wait_indirect_dma semaphore(%run_scoped3A_106 : memref<!tpu.dma_semaphore, #tpu.memory_space<semaphore_mem>>) src(%run_scoped3A : memref<80x128xf32, #tpu.memory_space<vmem>>) dst(%dma_wait3A_118 : memref<10112x128xf32, #tpu.memory_space<vmem_shared>>)
          tpu.yield
        }) : () -> ()
        %add3A_87 = arith.constant 2 : i32
        %add3A_88 = arith.addi %add3A_80, %add3A_87 : i32
        %lt3A = arith.cmpi slt, %add3A_88, %select_n3A : i32
        %convert_element_type3A = arith.extui %lt3A : i1 to i32
        %cond3A = arith.constant 0 : i32
        %cond3A_89 = arith.cmpi ne, %convert_element_type3A, %cond3A : i32
        scf.if %cond3A_89 {
          %add3A_106 = arith.constant 2 : i32
          %add3A_107 = arith.addi %add3A_80, %add3A_106 : i32
          %dma_start3A_108 = arith.constant 0 : i32
          %dma_start3A_109 = tpu.memref_slice %arg6[%add3A_107, %dma_start3A_108] : memref<128x80xi32, #tpu.memory_space<vmem>> -> memref<1x80xi32, #tpu.memory_space<vmem>>
          %dma_start3A_110 = tpu.memref_squeeze %dma_start3A_109 : memref<1x80xi32, #tpu.memory_space<vmem>> -> memref<80xi32, #tpu.memory_space<vmem>>
          %dma_start3A_111 = arith.constant 0 : i32
          %dma_start3A_112 = arith.constant 0 : i32
          %dma_start3A_113 = tpu.memref_slice %arg2[%dma_start3A_111, %dma_start3A_112] : memref<10112x128xf32, #tpu.memory_space<hbm>> -> memref<10112x128xf32, #tpu.memory_space<hbm>>
          tpu.enqueue_indirect_dma source(%dma_start3A_113 : memref<10112x128xf32, #tpu.memory_space<hbm>>) target(%run_scoped3A : memref<80x128xf32, #tpu.memory_space<vmem>>) offsets(%dma_start3A_110 : memref<80xi32, #tpu.memory_space<vmem>>) semaphore(%arg9 : memref<!tpu.dma_semaphore, #tpu.memory_space<semaphore_mem>>)
        } else {
        }
        %mul3A_90 = arith.constant 2 : i32
        %mul3A_91 = arith.muli %while3A_76, %mul3A_90 : i32
        %add3A_92 = arith.constant 1 : i32
        %add3A_93 = arith.addi %mul3A_91, %add3A_92 : i32
        %dma_wait3A_94 = arith.constant 0 : i32
        %dma_wait3A_95 = tpu.memref_slice %arg6[%add3A_93, %dma_wait3A_94] : memref<128x80xi32, #tpu.memory_space<vmem>> -> memref<1x80xi32, #tpu.memory_space<vmem>>
        %dma_wait3A_96 = tpu.memref_squeeze %dma_wait3A_95 : memref<1x80xi32, #tpu.memory_space<vmem>> -> memref<80xi32, #tpu.memory_space<vmem>>
        %dma_wait3A_97 = arith.constant 0 : i32
        %dma_wait3A_98 = arith.constant 0 : i32
        %dma_wait3A_99 = tpu.memref_slice %arg2[%dma_wait3A_97, %dma_wait3A_98] : memref<10112x128xf32, #tpu.memory_space<hbm>> -> memref<10112x128xf32, #tpu.memory_space<hbm>>
        tpu.wait_indirect_dma semaphore(%arg10 : memref<!tpu.dma_semaphore, #tpu.memory_space<semaphore_mem>>) src(%dma_wait3A_99 : memref<10112x128xf32, #tpu.memory_space<hbm>>) dst(%run_scoped3A_8 : memref<80x128xf32, #tpu.memory_space<vmem>>)
        "tpu.region"() ({
          %run_scoped3A_106 = tpu.sem_alloc : memref<!tpu.dma_semaphore, #tpu.memory_space<semaphore_mem>>
          %dma_start3A_107 = arith.constant 0 : i32
          %dma_start3A_108 = tpu.memref_slice %arg7[%add3A_93, %dma_start3A_107] : memref<128x80xi32, #tpu.memory_space<vmem>> -> memref<1x80xi32, #tpu.memory_space<vmem>>
          %dma_start3A_109 = tpu.memref_squeeze %dma_start3A_108 : memref<1x80xi32, #tpu.memory_space<vmem>> -> memref<80xi32, #tpu.memory_space<vmem>>
          %dma_start3A_110 = arith.constant 0 : i32
          %dma_start3A_111 = arith.constant 0 : i32
          %dma_start3A_112 = tpu.memref_slice %arg8[%dma_start3A_110, %dma_start3A_111] : memref<10112x128xf32, #tpu.memory_space<vmem_shared>> -> memref<10112x128xf32, #tpu.memory_space<vmem_shared>>
          tpu.enqueue_indirect_dma source(%run_scoped3A_8 : memref<80x128xf32, #tpu.memory_space<vmem>>) target(%dma_start3A_112 : memref<10112x128xf32, #tpu.memory_space<vmem_shared>>) offsets(%dma_start3A_109 : memref<80xi32, #tpu.memory_space<vmem>>) semaphore(%run_scoped3A_106 : memref<!tpu.dma_semaphore, #tpu.memory_space<semaphore_mem>>) {add = true}
          %dma_wait3A_113 = arith.constant 0 : i32
          %dma_wait3A_114 = tpu.memref_slice %arg7[%add3A_93, %dma_wait3A_113] : memref<128x80xi32, #tpu.memory_space<vmem>> -> memref<1x80xi32, #tpu.memory_space<vmem>>
          %dma_wait3A_115 = tpu.memref_squeeze %dma_wait3A_114 : memref<1x80xi32, #tpu.memory_space<vmem>> -> memref<80xi32, #tpu.memory_space<vmem>>
          %dma_wait3A_116 = arith.constant 0 : i32
          %dma_wait3A_117 = arith.constant 0 : i32
          %dma_wait3A_118 = tpu.memref_slice %arg8[%dma_wait3A_116, %dma_wait3A_117] : memref<10112x128xf32, #tpu.memory_space<vmem_shared>> -> memref<10112x128xf32, #tpu.memory_space<vmem_shared>>
          tpu.wait_indirect_dma semaphore(%run_scoped3A_106 : memref<!tpu.dma_semaphore, #tpu.memory_space<semaphore_mem>>) src(%run_scoped3A_8 : memref<80x128xf32, #tpu.memory_space<vmem>>) dst(%dma_wait3A_118 : memref<10112x128xf32, #tpu.memory_space<vmem_shared>>)
          tpu.yield
        }) : () -> ()
        %add3A_100 = arith.constant 2 : i32
        %add3A_101 = arith.addi %add3A_93, %add3A_100 : i32
        %lt3A_102 = arith.cmpi slt, %add3A_101, %select_n3A : i32
        %convert_element_type3A_103 = arith.extui %lt3A_102 : i1 to i32
        %cond3A_104 = arith.constant 0 : i32
        %cond3A_105 = arith.cmpi ne, %convert_element_type3A_103, %cond3A_104 : i32
        scf.if %cond3A_105 {
          %add3A_106 = arith.constant 2 : i32
          %add3A_107 = arith.addi %add3A_93, %add3A_106 : i32
          %dma_start3A_108 = arith.constant 0 : i32
          %dma_start3A_109 = tpu.memref_slice %arg6[%add3A_107, %dma_start3A_108] : memref<128x80xi32, #tpu.memory_space<vmem>> -> memref<1x80xi32, #tpu.memory_space<vmem>>
          %dma_start3A_110 = tpu.memref_squeeze %dma_start3A_109 : memref<1x80xi32, #tpu.memory_space<vmem>> -> memref<80xi32, #tpu.memory_space<vmem>>
          %dma_start3A_111 = arith.constant 0 : i32
          %dma_start3A_112 = arith.constant 0 : i32
          %dma_start3A_113 = tpu.memref_slice %arg2[%dma_start3A_111, %dma_start3A_112] : memref<10112x128xf32, #tpu.memory_space<hbm>> -> memref<10112x128xf32, #tpu.memory_space<hbm>>
          tpu.enqueue_indirect_dma source(%dma_start3A_113 : memref<10112x128xf32, #tpu.memory_space<hbm>>) target(%run_scoped3A_8 : memref<80x128xf32, #tpu.memory_space<vmem>>) offsets(%dma_start3A_110 : memref<80xi32, #tpu.memory_space<vmem>>) semaphore(%arg10 : memref<!tpu.dma_semaphore, #tpu.memory_space<semaphore_mem>>)
        } else {
        }
      }
      %barrier3A_75 = arith.constant 0 : index
      tpu.barrier barrier_id(%barrier3A_75)
      "tpu.region"() ({
        %run_scoped3A_76 = tpu.sem_alloc : memref<!tpu.dma_semaphore, #tpu.memory_space<semaphore_mem>>
        %dma_start3A_77 = arith.constant 0 : i32
        %dma_start3A_78 = tpu.memref_slice %arg5[%arg0, %mul3A_15, %dma_start3A_77] : memref<2x10112x128xf32, #tpu.memory_space<hbm>> -> memref<1x632x128xf32, #tpu.memory_space<hbm>>
        %dma_start3A_79 = tpu.memref_squeeze %dma_start3A_78 : memref<1x632x128xf32, #tpu.memory_space<hbm>> -> memref<632x128xf32, #tpu.memory_space<hbm>>
        %dma_start3A_80 = arith.constant 0 : i32
        %dma_start3A_81 = tpu.memref_slice %arg8[%mul3A_15, %dma_start3A_80] : memref<10112x128xf32, #tpu.memory_space<vmem_shared>> -> memref<632x128xf32, #tpu.memory_space<vmem_shared>>
        tpu.enqueue_dma source(%dma_start3A_81 : memref<632x128xf32, #tpu.memory_space<vmem_shared>>) target(%dma_start3A_79 : memref<632x128xf32, #tpu.memory_space<hbm>>) target_semaphore(%run_scoped3A_76 : memref<!tpu.dma_semaphore, #tpu.memory_space<semaphore_mem>>)
        %dma_wait3A_82 = arith.constant 0 : i32
        %dma_wait3A_83 = tpu.memref_slice %arg5[%arg0, %mul3A_15, %dma_wait3A_82] : memref<2x10112x128xf32, #tpu.memory_space<hbm>> -> memref<1x632x128xf32, #tpu.memory_space<hbm>>
        %dma_wait3A_84 = tpu.memref_squeeze %dma_wait3A_83 : memref<1x632x128xf32, #tpu.memory_space<hbm>> -> memref<632x128xf32, #tpu.memory_space<hbm>>
        %dma_wait3A_85 = arith.constant 0 : i32
        %dma_wait3A_86 = tpu.memref_slice %arg8[%mul3A_15, %dma_wait3A_85] : memref<10112x128xf32, #tpu.memory_space<vmem_shared>> -> memref<632x128xf32, #tpu.memory_space<vmem_shared>>
        tpu.wait_dma2 semaphore(%run_scoped3A_76 : memref<!tpu.dma_semaphore, #tpu.memory_space<semaphore_mem>>) src(%dma_wait3A_86 : memref<632x128xf32, #tpu.memory_space<vmem_shared>>) dst(%dma_wait3A_84 : memref<632x128xf32, #tpu.memory_space<hbm>>)
        tpu.yield
      }) : () -> ()
      tpu.yield
    }) : () -> ()
    return
  }
}

#map = affine_map<(d0, d1) -> (0, 0)>
#map1 = affine_map<(d0, d1) -> (0, 0, 0)>
module attributes {stable_mosaic.version = 14 : i64} {
  func.func @cnt_kernel(%arg0: i32, %arg1: i32, %arg2: memref<4096x80xi32, #tpu.memory_space<hbm>>, %arg3: memref<2x10112x16xf32, #tpu.memory_space<hbm>>, %arg4: memref<128x80xi32, #tpu.memory_space<vmem>>, %arg5: memref<80x16xf32, #tpu.memory_space<vmem>>, %arg6: memref<8x16xf32, #tpu.memory_space<vmem>>, %arg7: memref<10112x16xf32, #tpu.memory_space<vmem_shared>>) attributes {dimension_semantics = [#tpu.dimension_semantics<core_parallel>, #tpu.dimension_semantics<subcore_parallel>], iteration_bounds = array<i64: 2, 16>, scalar_prefetch = 0 : i64, scratch_operands = 4 : i64, tpu.core_type = #tpu.core_type<sc_vector_subcore>, window_params = [{transform_indices = #map}, {transform_indices = #map1}]} {
    %mul3A = arith.constant 2 : i32
    %mul3A_0 = arith.muli %arg1, %mul3A : i32
    %add3A = arith.addi %mul3A_0, %arg0 : i32
    %broadcast_in_dim3A = arith.constant 1.000000e+00 : f32
    %broadcast_in_dim3A_1 = vector.broadcast %broadcast_in_dim3A : f32 to vector<16xf32>
    %broadcast_in_dim3A_2 = arith.constant 0.000000e+00 : f32
    %broadcast_in_dim3A_3 = vector.broadcast %broadcast_in_dim3A_2 : f32 to vector<16xf32>
    %scan3A = arith.constant 0 : i32
    %scan3A_4 = arith.constant 0 : i32
    %scan3A_5 = arith.constant 80 : i32
    %scan3A_6 = arith.addi %scan3A_4, %scan3A_5 : i32
    %scan3A_7 = arith.constant 1 : i32
    scf.for %scan3A_32 = %scan3A_4 to %scan3A_6 step %scan3A_7  : i32 {
      %swap3A = arith.index_cast %scan3A_32 : i32 to index
      %swap3A_33 = arith.constant 0 : index
      %swap3A_34 = tpu.vector_load %arg5[%swap3A, %swap3A_33] {strides = array<i32>} : memref<80x16xf32, #tpu.memory_space<vmem>>, vector<1x16xf32>,
      %swap3A_35 = vector.shape_cast %swap3A_34 : vector<1x16xf32> to vector<16xf32>
      %swap3A_36 = vector.shape_cast %broadcast_in_dim3A_1 : vector<16xf32> to vector<1x16xf32>
      tpu.vector_store %arg5[%swap3A, %swap3A_33], %swap3A_36 {strides = array<i32>} : memref<80x16xf32, #tpu.memory_space<vmem>>, vector<1x16xf32>,
    }
    %scan3A_8 = arith.constant 80 : i32
    %scan3A_9 = arith.constant 0 : i32
    %scan3A_10 = arith.constant 0 : i32
    %scan3A_11 = arith.constant 8 : i32
    %scan3A_12 = arith.addi %scan3A_10, %scan3A_11 : i32
    %scan3A_13 = arith.constant 1 : i32
    scf.for %scan3A_32 = %scan3A_10 to %scan3A_12 step %scan3A_13  : i32 {
      %swap3A = arith.index_cast %scan3A_32 : i32 to index
      %swap3A_33 = arith.constant 0 : index
      %swap3A_34 = tpu.vector_load %arg6[%swap3A, %swap3A_33] {strides = array<i32>} : memref<8x16xf32, #tpu.memory_space<vmem>>, vector<1x16xf32>,
      %swap3A_35 = vector.shape_cast %swap3A_34 : vector<1x16xf32> to vector<16xf32>
      %swap3A_36 = vector.shape_cast %broadcast_in_dim3A_3 : vector<16xf32> to vector<1x16xf32>
      tpu.vector_store %arg6[%swap3A, %swap3A_33], %swap3A_36 {strides = array<i32>} : memref<8x16xf32, #tpu.memory_space<vmem>>, vector<1x16xf32>,
    }
    %scan3A_14 = arith.constant 8 : i32
    %mul3A_15 = arith.constant 632 : i32
    %mul3A_16 = arith.muli %arg1, %mul3A_15 : i32
    %scan3A_17 = arith.constant 0 : i32
    %scan3A_18 = arith.constant 0 : i32
    %scan3A_19 = arith.constant 79 : i32
    %scan3A_20 = arith.addi %scan3A_18, %scan3A_19 : i32
    %scan3A_21 = arith.constant 1 : i32
    scf.for %scan3A_32 = %scan3A_18 to %scan3A_20 step %scan3A_21  : i32 {
      %mul3A_33 = arith.constant 8 : i32
      %mul3A_34 = arith.muli %scan3A_32, %mul3A_33 : i32
      %add3A_35 = arith.addi %mul3A_16, %mul3A_34 : i32
      "tpu.region"() ({
        %run_scoped3A = tpu.sem_alloc : memref<!tpu.dma_semaphore, #tpu.memory_space<semaphore_mem>>
        %dma_start3A = arith.constant 0 : i32
        %dma_start3A_36 = tpu.memref_slice %arg7[%add3A_35, %dma_start3A] : memref<10112x16xf32, #tpu.memory_space<vmem_shared>> -> memref<8x16xf32, #tpu.memory_space<vmem_shared>>
        %dma_start3A_37 = arith.constant 0 : i32
        %dma_start3A_38 = tpu.memref_slice %arg7[%add3A_35, %dma_start3A_37] : memref<10112x16xf32, #tpu.memory_space<vmem_shared>> -> memref<8x16xf32, #tpu.memory_space<vmem_shared>>
        tpu.enqueue_dma source(%arg6 : memref<8x16xf32, #tpu.memory_space<vmem>>) target(%dma_start3A_38 : memref<8x16xf32, #tpu.memory_space<vmem_shared>>) target_semaphore(%run_scoped3A : memref<!tpu.dma_semaphore, #tpu.memory_space<semaphore_mem>>)
        %dma_wait3A = arith.constant 0 : i32
        %dma_wait3A_39 = tpu.memref_slice %arg7[%add3A_35, %dma_wait3A] : memref<10112x16xf32, #tpu.memory_space<vmem_shared>> -> memref<8x16xf32, #tpu.memory_space<vmem_shared>>
        %dma_wait3A_40 = arith.constant 0 : i32
        %dma_wait3A_41 = tpu.memref_slice %arg7[%add3A_35, %dma_wait3A_40] : memref<10112x16xf32, #tpu.memory_space<vmem_shared>> -> memref<8x16xf32, #tpu.memory_space<vmem_shared>>
        tpu.wait_dma2 semaphore(%run_scoped3A : memref<!tpu.dma_semaphore, #tpu.memory_space<semaphore_mem>>) src(%arg6 : memref<8x16xf32, #tpu.memory_space<vmem>>) dst(%dma_wait3A_41 : memref<8x16xf32, #tpu.memory_space<vmem_shared>>)
        tpu.yield
      }) : () -> ()
    }
    %scan3A_22 = arith.constant 79 : i32
    %barrier3A = arith.constant 0 : index
    tpu.barrier barrier_id(%barrier3A)
    %mul3A_23 = arith.constant 128 : i32
    %mul3A_24 = arith.muli %add3A, %mul3A_23 : i32
    "tpu.region"() ({
      %run_scoped3A = tpu.sem_alloc : memref<!tpu.dma_semaphore, #tpu.memory_space<semaphore_mem>>
      %dma_start3A = arith.constant 0 : i32
      %dma_start3A_32 = tpu.memref_slice %arg2[%mul3A_24, %dma_start3A] : memref<4096x80xi32, #tpu.memory_space<hbm>> -> memref<128x80xi32, #tpu.memory_space<hbm>>
      %dma_start3A_33 = arith.constant 0 : i32
      %dma_start3A_34 = tpu.memref_slice %arg2[%mul3A_24, %dma_start3A_33] : memref<4096x80xi32, #tpu.memory_space<hbm>> -> memref<128x80xi32, #tpu.memory_space<hbm>>
      tpu.enqueue_dma source(%dma_start3A_34 : memref<128x80xi32, #tpu.memory_space<hbm>>) target(%arg4 : memref<128x80xi32, #tpu.memory_space<vmem>>) target_semaphore(%run_scoped3A : memref<!tpu.dma_semaphore, #tpu.memory_space<semaphore_mem>>)
      %dma_wait3A = arith.constant 0 : i32
      %dma_wait3A_35 = tpu.memref_slice %arg2[%mul3A_24, %dma_wait3A] : memref<4096x80xi32, #tpu.memory_space<hbm>> -> memref<128x80xi32, #tpu.memory_space<hbm>>
      %dma_wait3A_36 = arith.constant 0 : i32
      %dma_wait3A_37 = tpu.memref_slice %arg2[%mul3A_24, %dma_wait3A_36] : memref<4096x80xi32, #tpu.memory_space<hbm>> -> memref<128x80xi32, #tpu.memory_space<hbm>>
      tpu.wait_dma2 semaphore(%run_scoped3A : memref<!tpu.dma_semaphore, #tpu.memory_space<semaphore_mem>>) src(%dma_wait3A_37 : memref<128x80xi32, #tpu.memory_space<hbm>>) dst(%arg4 : memref<128x80xi32, #tpu.memory_space<vmem>>)
      tpu.yield
    }) : () -> ()
    %scan3A_25 = arith.constant 0 : i32
    %scan3A_26 = arith.constant 0 : i32
    %scan3A_27 = arith.constant 128 : i32
    %scan3A_28 = arith.addi %scan3A_26, %scan3A_27 : i32
    %scan3A_29 = arith.constant 1 : i32
    scf.for %scan3A_32 = %scan3A_26 to %scan3A_28 step %scan3A_29  : i32 {
      "tpu.region"() ({
        %run_scoped3A = tpu.sem_alloc : memref<!tpu.dma_semaphore, #tpu.memory_space<semaphore_mem>>
        %dma_start3A = arith.constant 0 : i32
        %dma_start3A_33 = tpu.memref_slice %arg4[%scan3A_32, %dma_start3A] : memref<128x80xi32, #tpu.memory_space<vmem>> -> memref<1x80xi32, #tpu.memory_space<vmem>>
        %dma_start3A_34 = tpu.memref_squeeze %dma_start3A_33 : memref<1x80xi32, #tpu.memory_space<vmem>> -> memref<80xi32, #tpu.memory_space<vmem>>
        %dma_start3A_35 = arith.constant 0 : i32
        %dma_start3A_36 = arith.constant 0 : i32
        %dma_start3A_37 = tpu.memref_slice %arg7[%dma_start3A_35, %dma_start3A_36] : memref<10112x16xf32, #tpu.memory_space<vmem_shared>> -> memref<10112x16xf32, #tpu.memory_space<vmem_shared>>
        tpu.enqueue_indirect_dma source(%arg5 : memref<80x16xf32, #tpu.memory_space<vmem>>) target(%dma_start3A_37 : memref<10112x16xf32, #tpu.memory_space<vmem_shared>>) offsets(%dma_start3A_34 : memref<80xi32, #tpu.memory_space<vmem>>) semaphore(%run_scoped3A : memref<!tpu.dma_semaphore, #tpu.memory_space<semaphore_mem>>) {add = true}
        %dma_wait3A = arith.constant 0 : i32
        %dma_wait3A_38 = tpu.memref_slice %arg4[%scan3A_32, %dma_wait3A] : memref<128x80xi32, #tpu.memory_space<vmem>> -> memref<1x80xi32, #tpu.memory_space<vmem>>
        %dma_wait3A_39 = tpu.memref_squeeze %dma_wait3A_38 : memref<1x80xi32, #tpu.memory_space<vmem>> -> memref<80xi32, #tpu.memory_space<vmem>>
        %dma_wait3A_40 = arith.constant 0 : i32
        %dma_wait3A_41 = arith.constant 0 : i32
        %dma_wait3A_42 = tpu.memref_slice %arg7[%dma_wait3A_40, %dma_wait3A_41] : memref<10112x16xf32, #tpu.memory_space<vmem_shared>> -> memref<10112x16xf32, #tpu.memory_space<vmem_shared>>
        tpu.wait_indirect_dma semaphore(%run_scoped3A : memref<!tpu.dma_semaphore, #tpu.memory_space<semaphore_mem>>) src(%arg5 : memref<80x16xf32, #tpu.memory_space<vmem>>) dst(%dma_wait3A_42 : memref<10112x16xf32, #tpu.memory_space<vmem_shared>>)
        tpu.yield
      }) : () -> ()
    }
    %scan3A_30 = arith.constant 128 : i32
    %barrier3A_31 = arith.constant 0 : index
    tpu.barrier barrier_id(%barrier3A_31)
    "tpu.region"() ({
      %run_scoped3A = tpu.sem_alloc : memref<!tpu.dma_semaphore, #tpu.memory_space<semaphore_mem>>
      %dma_start3A = arith.constant 0 : i32
      %dma_start3A_32 = tpu.memref_slice %arg3[%arg0, %mul3A_16, %dma_start3A] : memref<2x10112x16xf32, #tpu.memory_space<hbm>> -> memref<1x632x16xf32, #tpu.memory_space<hbm>>
      %dma_start3A_33 = tpu.memref_squeeze %dma_start3A_32 : memref<1x632x16xf32, #tpu.memory_space<hbm>> -> memref<632x16xf32, #tpu.memory_space<hbm>>
      %dma_start3A_34 = arith.constant 0 : i32
      %dma_start3A_35 = tpu.memref_slice %arg7[%mul3A_16, %dma_start3A_34] : memref<10112x16xf32, #tpu.memory_space<vmem_shared>> -> memref<632x16xf32, #tpu.memory_space<vmem_shared>>
      tpu.enqueue_dma source(%dma_start3A_35 : memref<632x16xf32, #tpu.memory_space<vmem_shared>>) target(%dma_start3A_33 : memref<632x16xf32, #tpu.memory_space<hbm>>) target_semaphore(%run_scoped3A : memref<!tpu.dma_semaphore, #tpu.memory_space<semaphore_mem>>)
      %dma_wait3A = arith.constant 0 : i32
      %dma_wait3A_36 = tpu.memref_slice %arg3[%arg0, %mul3A_16, %dma_wait3A] : memref<2x10112x16xf32, #tpu.memory_space<hbm>> -> memref<1x632x16xf32, #tpu.memory_space<hbm>>
      %dma_wait3A_37 = tpu.memref_squeeze %dma_wait3A_36 : memref<1x632x16xf32, #tpu.memory_space<hbm>> -> memref<632x16xf32, #tpu.memory_space<hbm>>
      %dma_wait3A_38 = arith.constant 0 : i32
      %dma_wait3A_39 = tpu.memref_slice %arg7[%mul3A_16, %dma_wait3A_38] : memref<10112x16xf32, #tpu.memory_space<vmem_shared>> -> memref<632x16xf32, #tpu.memory_space<vmem_shared>>
      tpu.wait_dma2 semaphore(%run_scoped3A : memref<!tpu.dma_semaphore, #tpu.memory_space<semaphore_mem>>) src(%dma_wait3A_39 : memref<632x16xf32, #tpu.memory_space<vmem_shared>>) dst(%dma_wait3A_37 : memref<632x16xf32, #tpu.memory_space<hbm>>)
      tpu.yield
    }) : () -> ()
    return
  }
}

#map = affine_map<(d0, d1) -> (0, 0)>
#map1 = affine_map<(d0, d1) -> (0, 0, 0)>
module attributes {stable_mosaic.version = 14 : i64} {
  func.func @agg_kernel(%arg0: i32, %arg1: i32, %arg2: memref<10112x128xf32, #tpu.memory_space<hbm>>, %arg3: memref<4096x80xi32, #tpu.memory_space<hbm>>, %arg4: memref<4096x80xi32, #tpu.memory_space<hbm>>, %arg5: memref<2x10112x128xf32, #tpu.memory_space<hbm>>, %arg6: memref<128x80xi32, #tpu.memory_space<vmem>>, %arg7: memref<128x80xi32, #tpu.memory_space<vmem>>, %arg8: memref<10112x128xf32, #tpu.memory_space<vmem_shared>>, %arg9: memref<!tpu.dma_semaphore, #tpu.memory_space<semaphore_mem>>, %arg10: memref<!tpu.dma_semaphore, #tpu.memory_space<semaphore_mem>>) attributes {dimension_semantics = [#tpu.dimension_semantics<core_parallel>, #tpu.dimension_semantics<subcore_parallel>], iteration_bounds = array<i64: 2, 16>, scalar_prefetch = 0 : i64, scratch_operands = 5 : i64, tpu.core_type = #tpu.core_type<sc_vector_subcore>, window_params = [{transform_indices = #map}, {transform_indices = #map}, {transform_indices = #map}, {transform_indices = #map1}]} {
    %eq3A = arith.constant 0 : i32
    %eq3A_0 = arith.cmpi eq, %arg0, %eq3A : i32
    %jit3A = arith.constant 128 : i32
    %jit3A_1 = arith.constant 128 : i32
    %select_n3A = arith.select %eq3A_0, %jit3A, %jit3A_1 : i32
    %mul3A = arith.constant 128 : i32
    %mul3A_2 = arith.muli %arg1, %mul3A : i32
    %mul3A_3 = arith.constant 128 : i32
    %mul3A_4 = arith.muli %arg1, %mul3A_3 : i32
    %add3A = arith.constant 2048 : i32
    %add3A_5 = arith.addi %add3A, %mul3A_4 : i32
    %select_n3A_6 = arith.select %eq3A_0, %mul3A_2, %add3A_5 : i32
    %broadcast_in_dim3A = arith.constant 0.000000e+00 : f32
    %broadcast_in_dim3A_7 = vector.broadcast %broadcast_in_dim3A : f32 to vector<16xf32>
    "tpu.region"() ({
      %run_scoped3A = memref.alloca() : memref<80x128xf32, #tpu.memory_space<vmem>>
      %run_scoped3A_8 = memref.alloca() : memref<80x128xf32, #tpu.memory_space<vmem>>
      %scan3A = arith.constant 0 : i32
      %scan3A_9 = arith.constant 0 : i32
      %scan3A_10 = arith.constant 64 : i32
      %scan3A_11 = arith.addi %scan3A_9, %scan3A_10 : i32
      %scan3A_12 = arith.constant 1 : i32
      scf.for %scan3A_76 = %scan3A_9 to %scan3A_11 step %scan3A_12  : i32 {
        %jit3A_77 = arith.constant 8 : i32
        %div3A_78 = arith.divsi %scan3A_76, %jit3A_77 : i32
        %sign3A_79 = arith.constant 0 : i32
        %sign3A_80 = arith.cmpi sgt, %scan3A_76, %sign3A_79 : i32
        %sign3A_81 = arith.extui %sign3A_80 : i1 to i32
        %sign3A_82 = arith.constant 0 : i32
        %sign3A_83 = arith.cmpi slt, %scan3A_76, %sign3A_82 : i32
        %sign3A_84 = arith.extui %sign3A_83 : i1 to i32
        %sign3A_85 = arith.subi %sign3A_81, %sign3A_84 : i32
        %sign3A_86 = arith.constant 0 : i32
        %sign3A_87 = arith.cmpi sgt, %jit3A_77, %sign3A_86 : i32
        %sign3A_88 = arith.extui %sign3A_87 : i1 to i32
        %sign3A_89 = arith.constant 0 : i32
        %sign3A_90 = arith.cmpi slt, %jit3A_77, %sign3A_89 : i32
        %sign3A_91 = arith.extui %sign3A_90 : i1 to i32
        %sign3A_92 = arith.subi %sign3A_88, %sign3A_91 : i32
        %ne3A_93 = arith.cmpi ne, %sign3A_85, %sign3A_92 : i32
        %rem3A_94 = arith.remsi %scan3A_76, %jit3A_77 : i32
        %ne3A_95 = arith.constant 0 : i32
        %ne3A_96 = arith.cmpi ne, %rem3A_94, %ne3A_95 : i32
        %and3A_97 = arith.andi %ne3A_93, %ne3A_96 : i1
        %sub3A_98 = arith.constant 1 : i32
        %sub3A_99 = arith.subi %div3A_78, %sub3A_98 : i32
        %select_n3A_100 = arith.select %and3A_97, %sub3A_99, %div3A_78 : i32
        %jit3A_101 = arith.constant 8 : i32
        %eq3A_102 = arith.constant 0 : i32
        %eq3A_103 = arith.cmpi eq, %jit3A_101, %eq3A_102 : i32
        %jit3A_104 = arith.constant 1 : i32
        %select_n3A_105 = arith.select %eq3A_103, %jit3A_104, %jit3A_101 : i32
        %rem3A_106 = arith.remsi %scan3A_76, %select_n3A_105 : i32
        %ne3A_107 = arith.constant 0 : i32
        %ne3A_108 = arith.cmpi ne, %rem3A_106, %ne3A_107 : i32
        %lt3A = arith.constant 0 : i32
        %lt3A_109 = arith.cmpi slt, %rem3A_106, %lt3A : i32
        %lt3A_110 = arith.constant 0 : i32
        %lt3A_111 = arith.cmpi slt, %select_n3A_105, %lt3A_110 : i32
        %ne3A_112 = arith.xori %lt3A_109, %lt3A_111 : i1
        %and3A_113 = arith.andi %ne3A_112, %ne3A_108 : i1
        %add3A_114 = arith.addi %rem3A_106, %select_n3A_105 : i32
        %select_n3A_115 = arith.select %and3A_113, %add3A_114, %rem3A_106 : i32
        %mul3A_116 = arith.constant 16 : i32
        %mul3A_117 = arith.muli %select_n3A_115, %mul3A_116 : i32
        %swap3A = arith.index_cast %select_n3A_100 : i32 to index
        %swap3A_118 = arith.index_cast %mul3A_117 : i32 to index
        %swap3A_119 = tpu.vector_load %run_scoped3A[%swap3A, %swap3A_118] {strides = array<i32>} : memref<80x128xf32, #tpu.memory_space<vmem>>, vector<1x16xf32>,
        %swap3A_120 = vector.shape_cast %swap3A_119 : vector<1x16xf32> to vector<16xf32>
        %swap3A_121 = vector.shape_cast %broadcast_in_dim3A_7 : vector<16xf32> to vector<1x16xf32>
        tpu.vector_store %run_scoped3A[%swap3A, %swap3A_118], %swap3A_121 {strides = array<i32>} : memref<80x128xf32, #tpu.memory_space<vmem>>, vector<1x16xf32>,
      }
      %scan3A_13 = arith.constant 64 : i32
      %mul3A_14 = arith.constant 632 : i32
      %mul3A_15 = arith.muli %arg1, %mul3A_14 : i32
      %scan3A_16 = arith.constant 0 : i32
      %scan3A_17 = arith.constant 0 : i32
      %scan3A_18 = arith.constant 79 : i32
      %scan3A_19 = arith.addi %scan3A_17, %scan3A_18 : i32
      %scan3A_20 = arith.constant 1 : i32
      scf.for %scan3A_76 = %scan3A_17 to %scan3A_19 step %scan3A_20  : i32 {
        %mul3A_77 = arith.constant 8 : i32
        %mul3A_78 = arith.muli %scan3A_76, %mul3A_77 : i32
        %add3A_79 = arith.addi %mul3A_15, %mul3A_78 : i32
        %dma_start3A_80 = arith.constant 0 : i32
        %dma_start3A_81 = arith.constant 0 : i32
        %dma_start3A_82 = tpu.memref_slice %run_scoped3A[%dma_start3A_80, %dma_start3A_81] : memref<80x128xf32, #tpu.memory_space<vmem>> -> memref<8x128xf32, #tpu.memory_space<vmem>>
        %dma_start3A_83 = arith.constant 0 : i32
        %dma_start3A_84 = tpu.memref_slice %arg8[%add3A_79, %dma_start3A_83] : memref<10112x128xf32, #tpu.memory_space<vmem_shared>> -> memref<8x128xf32, #tpu.memory_space<vmem_shared>>
        %dma_start3A_85 = arith.constant 0 : i32
        %dma_start3A_86 = tpu.memref_slice %arg8[%add3A_79, %dma_start3A_85] : memref<10112x128xf32, #tpu.memory_space<vmem_shared>> -> memref<8x128xf32, #tpu.memory_space<vmem_shared>>
        %dma_start3A_87 = arith.constant 0 : i32
        %dma_start3A_88 = arith.constant 0 : i32
        %dma_start3A_89 = tpu.memref_slice %run_scoped3A[%dma_start3A_87, %dma_start3A_88] : memref<80x128xf32, #tpu.memory_space<vmem>> -> memref<8x128xf32, #tpu.memory_space<vmem>>
        tpu.enqueue_dma source(%dma_start3A_89 : memref<8x128xf32, #tpu.memory_space<vmem>>) target(%dma_start3A_86 : memref<8x128xf32, #tpu.memory_space<vmem_shared>>) target_semaphore(%arg9 : memref<!tpu.dma_semaphore, #tpu.memory_space<semaphore_mem>>)
      }
      %scan3A_21 = arith.constant 79 : i32
      %dma_start3A = arith.constant 0 : i32
      %dma_start3A_22 = tpu.memref_slice %arg3[%select_n3A_6, %dma_start3A] : memref<4096x80xi32, #tpu.memory_space<hbm>> -> memref<128x80xi32, #tpu.memory_space<hbm>>
      %dma_start3A_23 = arith.constant 0 : i32
      %dma_start3A_24 = tpu.memref_slice %arg3[%select_n3A_6, %dma_start3A_23] : memref<4096x80xi32, #tpu.memory_space<hbm>> -> memref<128x80xi32, #tpu.memory_space<hbm>>
      tpu.enqueue_dma source(%dma_start3A_24 : memref<128x80xi32, #tpu.memory_space<hbm>>) target(%arg6 : memref<128x80xi32, #tpu.memory_space<vmem>>) target_semaphore(%arg10 : memref<!tpu.dma_semaphore, #tpu.memory_space<semaphore_mem>>)
      %scan3A_25 = arith.constant 0 : i32
      %scan3A_26 = arith.constant 0 : i32
      %scan3A_27 = arith.constant 79 : i32
      %scan3A_28 = arith.addi %scan3A_26, %scan3A_27 : i32
      %scan3A_29 = arith.constant 1 : i32
      scf.for %scan3A_76 = %scan3A_26 to %scan3A_28 step %scan3A_29  : i32 {
        %mul3A_77 = arith.constant 8 : i32
        %mul3A_78 = arith.muli %scan3A_76, %mul3A_77 : i32
        %add3A_79 = arith.addi %mul3A_15, %mul3A_78 : i32
        %dma_wait3A_80 = arith.constant 0 : i32
        %dma_wait3A_81 = arith.constant 0 : i32
        %dma_wait3A_82 = tpu.memref_slice %run_scoped3A[%dma_wait3A_80, %dma_wait3A_81] : memref<80x128xf32, #tpu.memory_space<vmem>> -> memref<8x128xf32, #tpu.memory_space<vmem>>
        %dma_wait3A_83 = arith.constant 0 : i32
        %dma_wait3A_84 = tpu.memref_slice %arg8[%add3A_79, %dma_wait3A_83] : memref<10112x128xf32, #tpu.memory_space<vmem_shared>> -> memref<8x128xf32, #tpu.memory_space<vmem_shared>>
        %dma_wait3A_85 = arith.constant 0 : i32
        %dma_wait3A_86 = tpu.memref_slice %arg8[%add3A_79, %dma_wait3A_85] : memref<10112x128xf32, #tpu.memory_space<vmem_shared>> -> memref<8x128xf32, #tpu.memory_space<vmem_shared>>
        %dma_wait3A_87 = arith.constant 0 : i32
        %dma_wait3A_88 = arith.constant 0 : i32
        %dma_wait3A_89 = tpu.memref_slice %run_scoped3A[%dma_wait3A_87, %dma_wait3A_88] : memref<80x128xf32, #tpu.memory_space<vmem>> -> memref<8x128xf32, #tpu.memory_space<vmem>>
        tpu.wait_dma2 semaphore(%arg9 : memref<!tpu.dma_semaphore, #tpu.memory_space<semaphore_mem>>) src(%dma_wait3A_89 : memref<8x128xf32, #tpu.memory_space<vmem>>) dst(%dma_wait3A_86 : memref<8x128xf32, #tpu.memory_space<vmem_shared>>)
      }
      %scan3A_30 = arith.constant 79 : i32
      %barrier3A = arith.constant 0 : index
      tpu.barrier barrier_id(%barrier3A)
      %dma_wait3A = arith.constant 0 : i32
      %dma_wait3A_31 = tpu.memref_slice %arg3[%select_n3A_6, %dma_wait3A] : memref<4096x80xi32, #tpu.memory_space<hbm>> -> memref<128x80xi32, #tpu.memory_space<hbm>>
      %dma_wait3A_32 = arith.constant 0 : i32
      %dma_wait3A_33 = tpu.memref_slice %arg3[%select_n3A_6, %dma_wait3A_32] : memref<4096x80xi32, #tpu.memory_space<hbm>> -> memref<128x80xi32, #tpu.memory_space<hbm>>
      tpu.wait_dma2 semaphore(%arg10 : memref<!tpu.dma_semaphore, #tpu.memory_space<semaphore_mem>>) src(%dma_wait3A_33 : memref<128x80xi32, #tpu.memory_space<hbm>>) dst(%arg6 : memref<128x80xi32, #tpu.memory_space<vmem>>)
      "tpu.region"() ({
        %run_scoped3A_76 = tpu.sem_alloc : memref<!tpu.dma_semaphore, #tpu.memory_space<semaphore_mem>>
        %dma_start3A_77 = arith.constant 0 : i32
        %dma_start3A_78 = tpu.memref_slice %arg4[%select_n3A_6, %dma_start3A_77] : memref<4096x80xi32, #tpu.memory_space<hbm>> -> memref<128x80xi32, #tpu.memory_space<hbm>>
        %dma_start3A_79 = arith.constant 0 : i32
        %dma_start3A_80 = tpu.memref_slice %arg4[%select_n3A_6, %dma_start3A_79] : memref<4096x80xi32, #tpu.memory_space<hbm>> -> memref<128x80xi32, #tpu.memory_space<hbm>>
        tpu.enqueue_dma source(%dma_start3A_80 : memref<128x80xi32, #tpu.memory_space<hbm>>) target(%arg7 : memref<128x80xi32, #tpu.memory_space<vmem>>) target_semaphore(%run_scoped3A_76 : memref<!tpu.dma_semaphore, #tpu.memory_space<semaphore_mem>>)
        %dma_wait3A_81 = arith.constant 0 : i32
        %dma_wait3A_82 = tpu.memref_slice %arg4[%select_n3A_6, %dma_wait3A_81] : memref<4096x80xi32, #tpu.memory_space<hbm>> -> memref<128x80xi32, #tpu.memory_space<hbm>>
        %dma_wait3A_83 = arith.constant 0 : i32
        %dma_wait3A_84 = tpu.memref_slice %arg4[%select_n3A_6, %dma_wait3A_83] : memref<4096x80xi32, #tpu.memory_space<hbm>> -> memref<128x80xi32, #tpu.memory_space<hbm>>
        tpu.wait_dma2 semaphore(%run_scoped3A_76 : memref<!tpu.dma_semaphore, #tpu.memory_space<semaphore_mem>>) src(%dma_wait3A_84 : memref<128x80xi32, #tpu.memory_space<hbm>>) dst(%arg7 : memref<128x80xi32, #tpu.memory_space<vmem>>)
        tpu.yield
      }) : () -> ()
      %dma_start3A_34 = arith.constant 0 : i32
      %dma_start3A_35 = arith.constant 0 : i32
      %dma_start3A_36 = tpu.memref_slice %arg6[%dma_start3A_34, %dma_start3A_35] : memref<128x80xi32, #tpu.memory_space<vmem>> -> memref<1x80xi32, #tpu.memory_space<vmem>>
      %dma_start3A_37 = tpu.memref_squeeze %dma_start3A_36 : memref<1x80xi32, #tpu.memory_space<vmem>> -> memref<80xi32, #tpu.memory_space<vmem>>
      %dma_start3A_38 = arith.constant 0 : i32
      %dma_start3A_39 = arith.constant 0 : i32
      %dma_start3A_40 = tpu.memref_slice %arg2[%dma_start3A_38, %dma_start3A_39] : memref<10112x128xf32, #tpu.memory_space<hbm>> -> memref<10112x128xf32, #tpu.memory_space<hbm>>
      tpu.enqueue_indirect_dma source(%dma_start3A_40 : memref<10112x128xf32, #tpu.memory_space<hbm>>) target(%run_scoped3A : memref<80x128xf32, #tpu.memory_space<vmem>>) offsets(%dma_start3A_37 : memref<80xi32, #tpu.memory_space<vmem>>) semaphore(%arg9 : memref<!tpu.dma_semaphore, #tpu.memory_space<semaphore_mem>>)
      %dma_start3A_41 = arith.constant 1 : i32
      %dma_start3A_42 = arith.constant 0 : i32
      %dma_start3A_43 = tpu.memref_slice %arg6[%dma_start3A_41, %dma_start3A_42] : memref<128x80xi32, #tpu.memory_space<vmem>> -> memref<1x80xi32, #tpu.memory_space<vmem>>
      %dma_start3A_44 = tpu.memref_squeeze %dma_start3A_43 : memref<1x80xi32, #tpu.memory_space<vmem>> -> memref<80xi32, #tpu.memory_space<vmem>>
      %dma_start3A_45 = arith.constant 0 : i32
      %dma_start3A_46 = arith.constant 0 : i32
      %dma_start3A_47 = tpu.memref_slice %arg2[%dma_start3A_45, %dma_start3A_46] : memref<10112x128xf32, #tpu.memory_space<hbm>> -> memref<10112x128xf32, #tpu.memory_space<hbm>>
      tpu.enqueue_indirect_dma source(%dma_start3A_47 : memref<10112x128xf32, #tpu.memory_space<hbm>>) target(%run_scoped3A_8 : memref<80x128xf32, #tpu.memory_space<vmem>>) offsets(%dma_start3A_44 : memref<80xi32, #tpu.memory_space<vmem>>) semaphore(%arg10 : memref<!tpu.dma_semaphore, #tpu.memory_space<semaphore_mem>>)
      %jit3A_48 = arith.constant 2 : i32
      %div3A = arith.divsi %select_n3A, %jit3A_48 : i32
      %sign3A = arith.constant 0 : i32
      %sign3A_49 = arith.cmpi sgt, %select_n3A, %sign3A : i32
      %sign3A_50 = arith.extui %sign3A_49 : i1 to i32
      %sign3A_51 = arith.constant 0 : i32
      %sign3A_52 = arith.cmpi slt, %select_n3A, %sign3A_51 : i32
      %sign3A_53 = arith.extui %sign3A_52 : i1 to i32
      %sign3A_54 = arith.subi %sign3A_50, %sign3A_53 : i32
      %sign3A_55 = arith.constant 0 : i32
      %sign3A_56 = arith.cmpi sgt, %jit3A_48, %sign3A_55 : i32
      %sign3A_57 = arith.extui %sign3A_56 : i1 to i32
      %sign3A_58 = arith.constant 0 : i32
      %sign3A_59 = arith.cmpi slt, %jit3A_48, %sign3A_58 : i32
      %sign3A_60 = arith.extui %sign3A_59 : i1 to i32
      %sign3A_61 = arith.subi %sign3A_57, %sign3A_60 : i32
      %ne3A = arith.cmpi ne, %sign3A_54, %sign3A_61 : i32
      %rem3A = arith.remsi %select_n3A, %jit3A_48 : i32
      %ne3A_62 = arith.constant 0 : i32
      %ne3A_63 = arith.cmpi ne, %rem3A, %ne3A_62 : i32
      %and3A = arith.andi %ne3A, %ne3A_63 : i1
      %sub3A = arith.constant 1 : i32
      %sub3A_64 = arith.subi %div3A, %sub3A : i32
      %select_n3A_65 = arith.select %and3A, %sub3A_64, %div3A : i32
      %while3A = arith.constant 0 : i32
      %while3A_66 = arith.constant 0 : i32
      %while3A_67 = arith.subi %select_n3A_65, %while3A_66 : i32
      %while3A_68 = arith.addi %while3A_66, %while3A_67 : i32
      %while3A_69 = arith.constant 1 : i32
      %while3A_70 = arith.divsi %while3A_67, %while3A_69 : i32
      %while3A_71 = arith.muli %while3A_70, %while3A_69 : i32
      %while3A_72 = arith.addi %while3A_66, %while3A_71 : i32
      %while3A_73 = arith.constant 1 : i32
      scf.for %while3A_76 = %while3A_66 to %while3A_72 step %while3A_73  : i32 {
        %mul3A_77 = arith.constant 2 : i32
        %mul3A_78 = arith.muli %while3A_76, %mul3A_77 : i32
        %add3A_79 = arith.constant 0 : i32
        %add3A_80 = arith.addi %mul3A_78, %add3A_79 : i32
        %dma_wait3A_81 = arith.constant 0 : i32
        %dma_wait3A_82 = tpu.memref_slice %arg6[%add3A_80, %dma_wait3A_81] : memref<128x80xi32, #tpu.memory_space<vmem>> -> memref<1x80xi32, #tpu.memory_space<vmem>>
        %dma_wait3A_83 = tpu.memref_squeeze %dma_wait3A_82 : memref<1x80xi32, #tpu.memory_space<vmem>> -> memref<80xi32, #tpu.memory_space<vmem>>
        %dma_wait3A_84 = arith.constant 0 : i32
        %dma_wait3A_85 = arith.constant 0 : i32
        %dma_wait3A_86 = tpu.memref_slice %arg2[%dma_wait3A_84, %dma_wait3A_85] : memref<10112x128xf32, #tpu.memory_space<hbm>> -> memref<10112x128xf32, #tpu.memory_space<hbm>>
        tpu.wait_indirect_dma semaphore(%arg9 : memref<!tpu.dma_semaphore, #tpu.memory_space<semaphore_mem>>) src(%dma_wait3A_86 : memref<10112x128xf32, #tpu.memory_space<hbm>>) dst(%run_scoped3A : memref<80x128xf32, #tpu.memory_space<vmem>>)
        "tpu.region"() ({
          %run_scoped3A_106 = tpu.sem_alloc : memref<!tpu.dma_semaphore, #tpu.memory_space<semaphore_mem>>
          %dma_start3A_107 = arith.constant 0 : i32
          %dma_start3A_108 = tpu.memref_slice %arg7[%add3A_80, %dma_start3A_107] : memref<128x80xi32, #tpu.memory_space<vmem>> -> memref<1x80xi32, #tpu.memory_space<vmem>>
          %dma_start3A_109 = tpu.memref_squeeze %dma_start3A_108 : memref<1x80xi32, #tpu.memory_space<vmem>> -> memref<80xi32, #tpu.memory_space<vmem>>
          %dma_start3A_110 = arith.constant 0 : i32
          %dma_start3A_111 = arith.constant 0 : i32
          %dma_start3A_112 = tpu.memref_slice %arg8[%dma_start3A_110, %dma_start3A_111] : memref<10112x128xf32, #tpu.memory_space<vmem_shared>> -> memref<10112x128xf32, #tpu.memory_space<vmem_shared>>
          tpu.enqueue_indirect_dma source(%run_scoped3A : memref<80x128xf32, #tpu.memory_space<vmem>>) target(%dma_start3A_112 : memref<10112x128xf32, #tpu.memory_space<vmem_shared>>) offsets(%dma_start3A_109 : memref<80xi32, #tpu.memory_space<vmem>>) semaphore(%run_scoped3A_106 : memref<!tpu.dma_semaphore, #tpu.memory_space<semaphore_mem>>) {add = true}
          %dma_wait3A_113 = arith.constant 0 : i32
          %dma_wait3A_114 = tpu.memref_slice %arg7[%add3A_80, %dma_wait3A_113] : memref<128x80xi32, #tpu.memory_space<vmem>> -> memref<1x80xi32, #tpu.memory_space<vmem>>
          %dma_wait3A_115 = tpu.memref_squeeze %dma_wait3A_114 : memref<1x80xi32, #tpu.memory_space<vmem>> -> memref<80xi32, #tpu.memory_space<vmem>>
          %dma_wait3A_116 = arith.constant 0 : i32
          %dma_wait3A_117 = arith.constant 0 : i32
          %dma_wait3A_118 = tpu.memref_slice %arg8[%dma_wait3A_116, %dma_wait3A_117] : memref<10112x128xf32, #tpu.memory_space<vmem_shared>> -> memref<10112x128xf32, #tpu.memory_space<vmem_shared>>
          tpu.wait_indirect_dma semaphore(%run_scoped3A_106 : memref<!tpu.dma_semaphore, #tpu.memory_space<semaphore_mem>>) src(%run_scoped3A : memref<80x128xf32, #tpu.memory_space<vmem>>) dst(%dma_wait3A_118 : memref<10112x128xf32, #tpu.memory_space<vmem_shared>>)
          tpu.yield
        }) : () -> ()
        %add3A_87 = arith.constant 2 : i32
        %add3A_88 = arith.addi %add3A_80, %add3A_87 : i32
        %lt3A = arith.cmpi slt, %add3A_88, %select_n3A : i32
        %convert_element_type3A = arith.extui %lt3A : i1 to i32
        %cond3A = arith.constant 0 : i32
        %cond3A_89 = arith.cmpi ne, %convert_element_type3A, %cond3A : i32
        scf.if %cond3A_89 {
          %add3A_106 = arith.constant 2 : i32
          %add3A_107 = arith.addi %add3A_80, %add3A_106 : i32
          %dma_start3A_108 = arith.constant 0 : i32
          %dma_start3A_109 = tpu.memref_slice %arg6[%add3A_107, %dma_start3A_108] : memref<128x80xi32, #tpu.memory_space<vmem>> -> memref<1x80xi32, #tpu.memory_space<vmem>>
          %dma_start3A_110 = tpu.memref_squeeze %dma_start3A_109 : memref<1x80xi32, #tpu.memory_space<vmem>> -> memref<80xi32, #tpu.memory_space<vmem>>
          %dma_start3A_111 = arith.constant 0 : i32
          %dma_start3A_112 = arith.constant 0 : i32
          %dma_start3A_113 = tpu.memref_slice %arg2[%dma_start3A_111, %dma_start3A_112] : memref<10112x128xf32, #tpu.memory_space<hbm>> -> memref<10112x128xf32, #tpu.memory_space<hbm>>
          tpu.enqueue_indirect_dma source(%dma_start3A_113 : memref<10112x128xf32, #tpu.memory_space<hbm>>) target(%run_scoped3A : memref<80x128xf32, #tpu.memory_space<vmem>>) offsets(%dma_start3A_110 : memref<80xi32, #tpu.memory_space<vmem>>) semaphore(%arg9 : memref<!tpu.dma_semaphore, #tpu.memory_space<semaphore_mem>>)
        } else {
        }
        %mul3A_90 = arith.constant 2 : i32
        %mul3A_91 = arith.muli %while3A_76, %mul3A_90 : i32
        %add3A_92 = arith.constant 1 : i32
        %add3A_93 = arith.addi %mul3A_91, %add3A_92 : i32
        %dma_wait3A_94 = arith.constant 0 : i32
        %dma_wait3A_95 = tpu.memref_slice %arg6[%add3A_93, %dma_wait3A_94] : memref<128x80xi32, #tpu.memory_space<vmem>> -> memref<1x80xi32, #tpu.memory_space<vmem>>
        %dma_wait3A_96 = tpu.memref_squeeze %dma_wait3A_95 : memref<1x80xi32, #tpu.memory_space<vmem>> -> memref<80xi32, #tpu.memory_space<vmem>>
        %dma_wait3A_97 = arith.constant 0 : i32
        %dma_wait3A_98 = arith.constant 0 : i32
        %dma_wait3A_99 = tpu.memref_slice %arg2[%dma_wait3A_97, %dma_wait3A_98] : memref<10112x128xf32, #tpu.memory_space<hbm>> -> memref<10112x128xf32, #tpu.memory_space<hbm>>
        tpu.wait_indirect_dma semaphore(%arg10 : memref<!tpu.dma_semaphore, #tpu.memory_space<semaphore_mem>>) src(%dma_wait3A_99 : memref<10112x128xf32, #tpu.memory_space<hbm>>) dst(%run_scoped3A_8 : memref<80x128xf32, #tpu.memory_space<vmem>>)
        "tpu.region"() ({
          %run_scoped3A_106 = tpu.sem_alloc : memref<!tpu.dma_semaphore, #tpu.memory_space<semaphore_mem>>
          %dma_start3A_107 = arith.constant 0 : i32
          %dma_start3A_108 = tpu.memref_slice %arg7[%add3A_93, %dma_start3A_107] : memref<128x80xi32, #tpu.memory_space<vmem>> -> memref<1x80xi32, #tpu.memory_space<vmem>>
          %dma_start3A_109 = tpu.memref_squeeze %dma_start3A_108 : memref<1x80xi32, #tpu.memory_space<vmem>> -> memref<80xi32, #tpu.memory_space<vmem>>
          %dma_start3A_110 = arith.constant 0 : i32
          %dma_start3A_111 = arith.constant 0 : i32
          %dma_start3A_112 = tpu.memref_slice %arg8[%dma_start3A_110, %dma_start3A_111] : memref<10112x128xf32, #tpu.memory_space<vmem_shared>> -> memref<10112x128xf32, #tpu.memory_space<vmem_shared>>
          tpu.enqueue_indirect_dma source(%run_scoped3A_8 : memref<80x128xf32, #tpu.memory_space<vmem>>) target(%dma_start3A_112 : memref<10112x128xf32, #tpu.memory_space<vmem_shared>>) offsets(%dma_start3A_109 : memref<80xi32, #tpu.memory_space<vmem>>) semaphore(%run_scoped3A_106 : memref<!tpu.dma_semaphore, #tpu.memory_space<semaphore_mem>>) {add = true}
          %dma_wait3A_113 = arith.constant 0 : i32
          %dma_wait3A_114 = tpu.memref_slice %arg7[%add3A_93, %dma_wait3A_113] : memref<128x80xi32, #tpu.memory_space<vmem>> -> memref<1x80xi32, #tpu.memory_space<vmem>>
          %dma_wait3A_115 = tpu.memref_squeeze %dma_wait3A_114 : memref<1x80xi32, #tpu.memory_space<vmem>> -> memref<80xi32, #tpu.memory_space<vmem>>
          %dma_wait3A_116 = arith.constant 0 : i32
          %dma_wait3A_117 = arith.constant 0 : i32
          %dma_wait3A_118 = tpu.memref_slice %arg8[%dma_wait3A_116, %dma_wait3A_117] : memref<10112x128xf32, #tpu.memory_space<vmem_shared>> -> memref<10112x128xf32, #tpu.memory_space<vmem_shared>>
          tpu.wait_indirect_dma semaphore(%run_scoped3A_106 : memref<!tpu.dma_semaphore, #tpu.memory_space<semaphore_mem>>) src(%run_scoped3A_8 : memref<80x128xf32, #tpu.memory_space<vmem>>) dst(%dma_wait3A_118 : memref<10112x128xf32, #tpu.memory_space<vmem_shared>>)
          tpu.yield
        }) : () -> ()
        %add3A_100 = arith.constant 2 : i32
        %add3A_101 = arith.addi %add3A_93, %add3A_100 : i32
        %lt3A_102 = arith.cmpi slt, %add3A_101, %select_n3A : i32
        %convert_element_type3A_103 = arith.extui %lt3A_102 : i1 to i32
        %cond3A_104 = arith.constant 0 : i32
        %cond3A_105 = arith.cmpi ne, %convert_element_type3A_103, %cond3A_104 : i32
        scf.if %cond3A_105 {
          %add3A_106 = arith.constant 2 : i32
          %add3A_107 = arith.addi %add3A_93, %add3A_106 : i32
          %dma_start3A_108 = arith.constant 0 : i32
          %dma_start3A_109 = tpu.memref_slice %arg6[%add3A_107, %dma_start3A_108] : memref<128x80xi32, #tpu.memory_space<vmem>> -> memref<1x80xi32, #tpu.memory_space<vmem>>
          %dma_start3A_110 = tpu.memref_squeeze %dma_start3A_109 : memref<1x80xi32, #tpu.memory_space<vmem>> -> memref<80xi32, #tpu.memory_space<vmem>>
          %dma_start3A_111 = arith.constant 0 : i32
          %dma_start3A_112 = arith.constant 0 : i32
          %dma_start3A_113 = tpu.memref_slice %arg2[%dma_start3A_111, %dma_start3A_112] : memref<10112x128xf32, #tpu.memory_space<hbm>> -> memref<10112x128xf32, #tpu.memory_space<hbm>>
          tpu.enqueue_indirect_dma source(%dma_start3A_113 : memref<10112x128xf32, #tpu.memory_space<hbm>>) target(%run_scoped3A_8 : memref<80x128xf32, #tpu.memory_space<vmem>>) offsets(%dma_start3A_110 : memref<80xi32, #tpu.memory_space<vmem>>) semaphore(%arg10 : memref<!tpu.dma_semaphore, #tpu.memory_space<semaphore_mem>>)
        } else {
        }
      }
      %while3A_74 = arith.constant 1 : i32
      scf.for %while3A_76 = %while3A_72 to %while3A_68 step %while3A_74  : i32 {
        %mul3A_77 = arith.constant 2 : i32
        %mul3A_78 = arith.muli %while3A_76, %mul3A_77 : i32
        %add3A_79 = arith.constant 0 : i32
        %add3A_80 = arith.addi %mul3A_78, %add3A_79 : i32
        %dma_wait3A_81 = arith.constant 0 : i32
        %dma_wait3A_82 = tpu.memref_slice %arg6[%add3A_80, %dma_wait3A_81] : memref<128x80xi32, #tpu.memory_space<vmem>> -> memref<1x80xi32, #tpu.memory_space<vmem>>
        %dma_wait3A_83 = tpu.memref_squeeze %dma_wait3A_82 : memref<1x80xi32, #tpu.memory_space<vmem>> -> memref<80xi32, #tpu.memory_space<vmem>>
        %dma_wait3A_84 = arith.constant 0 : i32
        %dma_wait3A_85 = arith.constant 0 : i32
        %dma_wait3A_86 = tpu.memref_slice %arg2[%dma_wait3A_84, %dma_wait3A_85] : memref<10112x128xf32, #tpu.memory_space<hbm>> -> memref<10112x128xf32, #tpu.memory_space<hbm>>
        tpu.wait_indirect_dma semaphore(%arg9 : memref<!tpu.dma_semaphore, #tpu.memory_space<semaphore_mem>>) src(%dma_wait3A_86 : memref<10112x128xf32, #tpu.memory_space<hbm>>) dst(%run_scoped3A : memref<80x128xf32, #tpu.memory_space<vmem>>)
        "tpu.region"() ({
          %run_scoped3A_106 = tpu.sem_alloc : memref<!tpu.dma_semaphore, #tpu.memory_space<semaphore_mem>>
          %dma_start3A_107 = arith.constant 0 : i32
          %dma_start3A_108 = tpu.memref_slice %arg7[%add3A_80, %dma_start3A_107] : memref<128x80xi32, #tpu.memory_space<vmem>> -> memref<1x80xi32, #tpu.memory_space<vmem>>
          %dma_start3A_109 = tpu.memref_squeeze %dma_start3A_108 : memref<1x80xi32, #tpu.memory_space<vmem>> -> memref<80xi32, #tpu.memory_space<vmem>>
          %dma_start3A_110 = arith.constant 0 : i32
          %dma_start3A_111 = arith.constant 0 : i32
          %dma_start3A_112 = tpu.memref_slice %arg8[%dma_start3A_110, %dma_start3A_111] : memref<10112x128xf32, #tpu.memory_space<vmem_shared>> -> memref<10112x128xf32, #tpu.memory_space<vmem_shared>>
          tpu.enqueue_indirect_dma source(%run_scoped3A : memref<80x128xf32, #tpu.memory_space<vmem>>) target(%dma_start3A_112 : memref<10112x128xf32, #tpu.memory_space<vmem_shared>>) offsets(%dma_start3A_109 : memref<80xi32, #tpu.memory_space<vmem>>) semaphore(%run_scoped3A_106 : memref<!tpu.dma_semaphore, #tpu.memory_space<semaphore_mem>>) {add = true}
          %dma_wait3A_113 = arith.constant 0 : i32
          %dma_wait3A_114 = tpu.memref_slice %arg7[%add3A_80, %dma_wait3A_113] : memref<128x80xi32, #tpu.memory_space<vmem>> -> memref<1x80xi32, #tpu.memory_space<vmem>>
          %dma_wait3A_115 = tpu.memref_squeeze %dma_wait3A_114 : memref<1x80xi32, #tpu.memory_space<vmem>> -> memref<80xi32, #tpu.memory_space<vmem>>
          %dma_wait3A_116 = arith.constant 0 : i32
          %dma_wait3A_117 = arith.constant 0 : i32
          %dma_wait3A_118 = tpu.memref_slice %arg8[%dma_wait3A_116, %dma_wait3A_117] : memref<10112x128xf32, #tpu.memory_space<vmem_shared>> -> memref<10112x128xf32, #tpu.memory_space<vmem_shared>>
          tpu.wait_indirect_dma semaphore(%run_scoped3A_106 : memref<!tpu.dma_semaphore, #tpu.memory_space<semaphore_mem>>) src(%run_scoped3A : memref<80x128xf32, #tpu.memory_space<vmem>>) dst(%dma_wait3A_118 : memref<10112x128xf32, #tpu.memory_space<vmem_shared>>)
          tpu.yield
        }) : () -> ()
        %add3A_87 = arith.constant 2 : i32
        %add3A_88 = arith.addi %add3A_80, %add3A_87 : i32
        %lt3A = arith.cmpi slt, %add3A_88, %select_n3A : i32
        %convert_element_type3A = arith.extui %lt3A : i1 to i32
        %cond3A = arith.constant 0 : i32
        %cond3A_89 = arith.cmpi ne, %convert_element_type3A, %cond3A : i32
        scf.if %cond3A_89 {
          %add3A_106 = arith.constant 2 : i32
          %add3A_107 = arith.addi %add3A_80, %add3A_106 : i32
          %dma_start3A_108 = arith.constant 0 : i32
          %dma_start3A_109 = tpu.memref_slice %arg6[%add3A_107, %dma_start3A_108] : memref<128x80xi32, #tpu.memory_space<vmem>> -> memref<1x80xi32, #tpu.memory_space<vmem>>
          %dma_start3A_110 = tpu.memref_squeeze %dma_start3A_109 : memref<1x80xi32, #tpu.memory_space<vmem>> -> memref<80xi32, #tpu.memory_space<vmem>>
          %dma_start3A_111 = arith.constant 0 : i32
          %dma_start3A_112 = arith.constant 0 : i32
          %dma_start3A_113 = tpu.memref_slice %arg2[%dma_start3A_111, %dma_start3A_112] : memref<10112x128xf32, #tpu.memory_space<hbm>> -> memref<10112x128xf32, #tpu.memory_space<hbm>>
          tpu.enqueue_indirect_dma source(%dma_start3A_113 : memref<10112x128xf32, #tpu.memory_space<hbm>>) target(%run_scoped3A : memref<80x128xf32, #tpu.memory_space<vmem>>) offsets(%dma_start3A_110 : memref<80xi32, #tpu.memory_space<vmem>>) semaphore(%arg9 : memref<!tpu.dma_semaphore, #tpu.memory_space<semaphore_mem>>)
        } else {
        }
        %mul3A_90 = arith.constant 2 : i32
        %mul3A_91 = arith.muli %while3A_76, %mul3A_90 : i32
        %add3A_92 = arith.constant 1 : i32
        %add3A_93 = arith.addi %mul3A_91, %add3A_92 : i32
        %dma_wait3A_94 = arith.constant 0 : i32
        %dma_wait3A_95 = tpu.memref_slice %arg6[%add3A_93, %dma_wait3A_94] : memref<128x80xi32, #tpu.memory_space<vmem>> -> memref<1x80xi32, #tpu.memory_space<vmem>>
        %dma_wait3A_96 = tpu.memref_squeeze %dma_wait3A_95 : memref<1x80xi32, #tpu.memory_space<vmem>> -> memref<80xi32, #tpu.memory_space<vmem>>
        %dma_wait3A_97 = arith.constant 0 : i32
        %dma_wait3A_98 = arith.constant 0 : i32
        %dma_wait3A_99 = tpu.memref_slice %arg2[%dma_wait3A_97, %dma_wait3A_98] : memref<10112x128xf32, #tpu.memory_space<hbm>> -> memref<10112x128xf32, #tpu.memory_space<hbm>>
        tpu.wait_indirect_dma semaphore(%arg10 : memref<!tpu.dma_semaphore, #tpu.memory_space<semaphore_mem>>) src(%dma_wait3A_99 : memref<10112x128xf32, #tpu.memory_space<hbm>>) dst(%run_scoped3A_8 : memref<80x128xf32, #tpu.memory_space<vmem>>)
        "tpu.region"() ({
          %run_scoped3A_106 = tpu.sem_alloc : memref<!tpu.dma_semaphore, #tpu.memory_space<semaphore_mem>>
          %dma_start3A_107 = arith.constant 0 : i32
          %dma_start3A_108 = tpu.memref_slice %arg7[%add3A_93, %dma_start3A_107] : memref<128x80xi32, #tpu.memory_space<vmem>> -> memref<1x80xi32, #tpu.memory_space<vmem>>
          %dma_start3A_109 = tpu.memref_squeeze %dma_start3A_108 : memref<1x80xi32, #tpu.memory_space<vmem>> -> memref<80xi32, #tpu.memory_space<vmem>>
          %dma_start3A_110 = arith.constant 0 : i32
          %dma_start3A_111 = arith.constant 0 : i32
          %dma_start3A_112 = tpu.memref_slice %arg8[%dma_start3A_110, %dma_start3A_111] : memref<10112x128xf32, #tpu.memory_space<vmem_shared>> -> memref<10112x128xf32, #tpu.memory_space<vmem_shared>>
          tpu.enqueue_indirect_dma source(%run_scoped3A_8 : memref<80x128xf32, #tpu.memory_space<vmem>>) target(%dma_start3A_112 : memref<10112x128xf32, #tpu.memory_space<vmem_shared>>) offsets(%dma_start3A_109 : memref<80xi32, #tpu.memory_space<vmem>>) semaphore(%run_scoped3A_106 : memref<!tpu.dma_semaphore, #tpu.memory_space<semaphore_mem>>) {add = true}
          %dma_wait3A_113 = arith.constant 0 : i32
          %dma_wait3A_114 = tpu.memref_slice %arg7[%add3A_93, %dma_wait3A_113] : memref<128x80xi32, #tpu.memory_space<vmem>> -> memref<1x80xi32, #tpu.memory_space<vmem>>
          %dma_wait3A_115 = tpu.memref_squeeze %dma_wait3A_114 : memref<1x80xi32, #tpu.memory_space<vmem>> -> memref<80xi32, #tpu.memory_space<vmem>>
          %dma_wait3A_116 = arith.constant 0 : i32
          %dma_wait3A_117 = arith.constant 0 : i32
          %dma_wait3A_118 = tpu.memref_slice %arg8[%dma_wait3A_116, %dma_wait3A_117] : memref<10112x128xf32, #tpu.memory_space<vmem_shared>> -> memref<10112x128xf32, #tpu.memory_space<vmem_shared>>
          tpu.wait_indirect_dma semaphore(%run_scoped3A_106 : memref<!tpu.dma_semaphore, #tpu.memory_space<semaphore_mem>>) src(%run_scoped3A_8 : memref<80x128xf32, #tpu.memory_space<vmem>>) dst(%dma_wait3A_118 : memref<10112x128xf32, #tpu.memory_space<vmem_shared>>)
          tpu.yield
        }) : () -> ()
        %add3A_100 = arith.constant 2 : i32
        %add3A_101 = arith.addi %add3A_93, %add3A_100 : i32
        %lt3A_102 = arith.cmpi slt, %add3A_101, %select_n3A : i32
        %convert_element_type3A_103 = arith.extui %lt3A_102 : i1 to i32
        %cond3A_104 = arith.constant 0 : i32
        %cond3A_105 = arith.cmpi ne, %convert_element_type3A_103, %cond3A_104 : i32
        scf.if %cond3A_105 {
          %add3A_106 = arith.constant 2 : i32
          %add3A_107 = arith.addi %add3A_93, %add3A_106 : i32
          %dma_start3A_108 = arith.constant 0 : i32
          %dma_start3A_109 = tpu.memref_slice %arg6[%add3A_107, %dma_start3A_108] : memref<128x80xi32, #tpu.memory_space<vmem>> -> memref<1x80xi32, #tpu.memory_space<vmem>>
          %dma_start3A_110 = tpu.memref_squeeze %dma_start3A_109 : memref<1x80xi32, #tpu.memory_space<vmem>> -> memref<80xi32, #tpu.memory_space<vmem>>
          %dma_start3A_111 = arith.constant 0 : i32
          %dma_start3A_112 = arith.constant 0 : i32
          %dma_start3A_113 = tpu.memref_slice %arg2[%dma_start3A_111, %dma_start3A_112] : memref<10112x128xf32, #tpu.memory_space<hbm>> -> memref<10112x128xf32, #tpu.memory_space<hbm>>
          tpu.enqueue_indirect_dma source(%dma_start3A_113 : memref<10112x128xf32, #tpu.memory_space<hbm>>) target(%run_scoped3A_8 : memref<80x128xf32, #tpu.memory_space<vmem>>) offsets(%dma_start3A_110 : memref<80xi32, #tpu.memory_space<vmem>>) semaphore(%arg10 : memref<!tpu.dma_semaphore, #tpu.memory_space<semaphore_mem>>)
        } else {
        }
      }
      %barrier3A_75 = arith.constant 0 : index
      tpu.barrier barrier_id(%barrier3A_75)
      "tpu.region"() ({
        %run_scoped3A_76 = tpu.sem_alloc : memref<!tpu.dma_semaphore, #tpu.memory_space<semaphore_mem>>
        %dma_start3A_77 = arith.constant 0 : i32
        %dma_start3A_78 = tpu.memref_slice %arg5[%arg0, %mul3A_15, %dma_start3A_77] : memref<2x10112x128xf32, #tpu.memory_space<hbm>> -> memref<1x632x128xf32, #tpu.memory_space<hbm>>
        %dma_start3A_79 = tpu.memref_squeeze %dma_start3A_78 : memref<1x632x128xf32, #tpu.memory_space<hbm>> -> memref<632x128xf32, #tpu.memory_space<hbm>>
        %dma_start3A_80 = arith.constant 0 : i32
        %dma_start3A_81 = tpu.memref_slice %arg8[%mul3A_15, %dma_start3A_80] : memref<10112x128xf32, #tpu.memory_space<vmem_shared>> -> memref<632x128xf32, #tpu.memory_space<vmem_shared>>
        tpu.enqueue_dma source(%dma_start3A_81 : memref<632x128xf32, #tpu.memory_space<vmem_shared>>) target(%dma_start3A_79 : memref<632x128xf32, #tpu.memory_space<hbm>>) target_semaphore(%run_scoped3A_76 : memref<!tpu.dma_semaphore, #tpu.memory_space<semaphore_mem>>)
        %dma_wait3A_82 = arith.constant 0 : i32
        %dma_wait3A_83 = tpu.memref_slice %arg5[%arg0, %mul3A_15, %dma_wait3A_82] : memref<2x10112x128xf32, #tpu.memory_space<hbm>> -> memref<1x632x128xf32, #tpu.memory_space<hbm>>
        %dma_wait3A_84 = tpu.memref_squeeze %dma_wait3A_83 : memref<1x632x128xf32, #tpu.memory_space<hbm>> -> memref<632x128xf32, #tpu.memory_space<hbm>>
        %dma_wait3A_85 = arith.constant 0 : i32
        %dma_wait3A_86 = tpu.memref_slice %arg8[%mul3A_15, %dma_wait3A_85] : memref<10112x128xf32, #tpu.memory_space<vmem_shared>> -> memref<632x128xf32, #tpu.memory_space<vmem_shared>>
        tpu.wait_dma2 semaphore(%run_scoped3A_76 : memref<!tpu.dma_semaphore, #tpu.memory_space<semaphore_mem>>) src(%dma_wait3A_86 : memref<632x128xf32, #tpu.memory_space<vmem_shared>>) dst(%dma_wait3A_84 : memref<632x128xf32, #tpu.memory_space<hbm>>)
        tpu.yield
      }) : () -> ()
      tpu.yield
    }) : () -> ()
    return
  }
}

#map = affine_map<(d0, d1) -> (0, 0)>
#map1 = affine_map<(d0, d1) -> (0, 0, 0)>
module attributes {stable_mosaic.version = 14 : i64} {
  func.func @cnt_kernel(%arg0: i32, %arg1: i32, %arg2: memref<4096x80xi32, #tpu.memory_space<hbm>>, %arg3: memref<2x10112x16xf32, #tpu.memory_space<hbm>>, %arg4: memref<128x80xi32, #tpu.memory_space<vmem>>, %arg5: memref<80x16xf32, #tpu.memory_space<vmem>>, %arg6: memref<8x16xf32, #tpu.memory_space<vmem>>, %arg7: memref<10112x16xf32, #tpu.memory_space<vmem_shared>>) attributes {dimension_semantics = [#tpu.dimension_semantics<core_parallel>, #tpu.dimension_semantics<subcore_parallel>], iteration_bounds = array<i64: 2, 16>, scalar_prefetch = 0 : i64, scratch_operands = 4 : i64, tpu.core_type = #tpu.core_type<sc_vector_subcore>, window_params = [{transform_indices = #map}, {transform_indices = #map1}]} {
    %mul3A = arith.constant 2 : i32
    %mul3A_0 = arith.muli %arg1, %mul3A : i32
    %add3A = arith.addi %mul3A_0, %arg0 : i32
    %broadcast_in_dim3A = arith.constant 1.000000e+00 : f32
    %broadcast_in_dim3A_1 = vector.broadcast %broadcast_in_dim3A : f32 to vector<16xf32>
    %broadcast_in_dim3A_2 = arith.constant 0.000000e+00 : f32
    %broadcast_in_dim3A_3 = vector.broadcast %broadcast_in_dim3A_2 : f32 to vector<16xf32>
    %scan3A = arith.constant 0 : i32
    %scan3A_4 = arith.constant 0 : i32
    %scan3A_5 = arith.constant 80 : i32
    %scan3A_6 = arith.addi %scan3A_4, %scan3A_5 : i32
    %scan3A_7 = arith.constant 1 : i32
    scf.for %scan3A_32 = %scan3A_4 to %scan3A_6 step %scan3A_7  : i32 {
      %swap3A = arith.index_cast %scan3A_32 : i32 to index
      %swap3A_33 = arith.constant 0 : index
      %swap3A_34 = tpu.vector_load %arg5[%swap3A, %swap3A_33] {strides = array<i32>} : memref<80x16xf32, #tpu.memory_space<vmem>>, vector<1x16xf32>,
      %swap3A_35 = vector.shape_cast %swap3A_34 : vector<1x16xf32> to vector<16xf32>
      %swap3A_36 = vector.shape_cast %broadcast_in_dim3A_1 : vector<16xf32> to vector<1x16xf32>
      tpu.vector_store %arg5[%swap3A, %swap3A_33], %swap3A_36 {strides = array<i32>} : memref<80x16xf32, #tpu.memory_space<vmem>>, vector<1x16xf32>,
    }
    %scan3A_8 = arith.constant 80 : i32
    %scan3A_9 = arith.constant 0 : i32
    %scan3A_10 = arith.constant 0 : i32
    %scan3A_11 = arith.constant 8 : i32
    %scan3A_12 = arith.addi %scan3A_10, %scan3A_11 : i32
    %scan3A_13 = arith.constant 1 : i32
    scf.for %scan3A_32 = %scan3A_10 to %scan3A_12 step %scan3A_13  : i32 {
      %swap3A = arith.index_cast %scan3A_32 : i32 to index
      %swap3A_33 = arith.constant 0 : index
      %swap3A_34 = tpu.vector_load %arg6[%swap3A, %swap3A_33] {strides = array<i32>} : memref<8x16xf32, #tpu.memory_space<vmem>>, vector<1x16xf32>,
      %swap3A_35 = vector.shape_cast %swap3A_34 : vector<1x16xf32> to vector<16xf32>
      %swap3A_36 = vector.shape_cast %broadcast_in_dim3A_3 : vector<16xf32> to vector<1x16xf32>
      tpu.vector_store %arg6[%swap3A, %swap3A_33], %swap3A_36 {strides = array<i32>} : memref<8x16xf32, #tpu.memory_space<vmem>>, vector<1x16xf32>,
    }
    %scan3A_14 = arith.constant 8 : i32
    %mul3A_15 = arith.constant 632 : i32
    %mul3A_16 = arith.muli %arg1, %mul3A_15 : i32
    %scan3A_17 = arith.constant 0 : i32
    %scan3A_18 = arith.constant 0 : i32
    %scan3A_19 = arith.constant 79 : i32
    %scan3A_20 = arith.addi %scan3A_18, %scan3A_19 : i32
    %scan3A_21 = arith.constant 1 : i32
    scf.for %scan3A_32 = %scan3A_18 to %scan3A_20 step %scan3A_21  : i32 {
      %mul3A_33 = arith.constant 8 : i32
      %mul3A_34 = arith.muli %scan3A_32, %mul3A_33 : i32
      %add3A_35 = arith.addi %mul3A_16, %mul3A_34 : i32
      "tpu.region"() ({
        %run_scoped3A = tpu.sem_alloc : memref<!tpu.dma_semaphore, #tpu.memory_space<semaphore_mem>>
        %dma_start3A = arith.constant 0 : i32
        %dma_start3A_36 = tpu.memref_slice %arg7[%add3A_35, %dma_start3A] : memref<10112x16xf32, #tpu.memory_space<vmem_shared>> -> memref<8x16xf32, #tpu.memory_space<vmem_shared>>
        %dma_start3A_37 = arith.constant 0 : i32
        %dma_start3A_38 = tpu.memref_slice %arg7[%add3A_35, %dma_start3A_37] : memref<10112x16xf32, #tpu.memory_space<vmem_shared>> -> memref<8x16xf32, #tpu.memory_space<vmem_shared>>
        tpu.enqueue_dma source(%arg6 : memref<8x16xf32, #tpu.memory_space<vmem>>) target(%dma_start3A_38 : memref<8x16xf32, #tpu.memory_space<vmem_shared>>) target_semaphore(%run_scoped3A : memref<!tpu.dma_semaphore, #tpu.memory_space<semaphore_mem>>)
        %dma_wait3A = arith.constant 0 : i32
        %dma_wait3A_39 = tpu.memref_slice %arg7[%add3A_35, %dma_wait3A] : memref<10112x16xf32, #tpu.memory_space<vmem_shared>> -> memref<8x16xf32, #tpu.memory_space<vmem_shared>>
        %dma_wait3A_40 = arith.constant 0 : i32
        %dma_wait3A_41 = tpu.memref_slice %arg7[%add3A_35, %dma_wait3A_40] : memref<10112x16xf32, #tpu.memory_space<vmem_shared>> -> memref<8x16xf32, #tpu.memory_space<vmem_shared>>
        tpu.wait_dma2 semaphore(%run_scoped3A : memref<!tpu.dma_semaphore, #tpu.memory_space<semaphore_mem>>) src(%arg6 : memref<8x16xf32, #tpu.memory_space<vmem>>) dst(%dma_wait3A_41 : memref<8x16xf32, #tpu.memory_space<vmem_shared>>)
        tpu.yield
      }) : () -> ()
    }
    %scan3A_22 = arith.constant 79 : i32
    %barrier3A = arith.constant 0 : index
    tpu.barrier barrier_id(%barrier3A)
    %mul3A_23 = arith.constant 128 : i32
    %mul3A_24 = arith.muli %add3A, %mul3A_23 : i32
    "tpu.region"() ({
      %run_scoped3A = tpu.sem_alloc : memref<!tpu.dma_semaphore, #tpu.memory_space<semaphore_mem>>
      %dma_start3A = arith.constant 0 : i32
      %dma_start3A_32 = tpu.memref_slice %arg2[%mul3A_24, %dma_start3A] : memref<4096x80xi32, #tpu.memory_space<hbm>> -> memref<128x80xi32, #tpu.memory_space<hbm>>
      %dma_start3A_33 = arith.constant 0 : i32
      %dma_start3A_34 = tpu.memref_slice %arg2[%mul3A_24, %dma_start3A_33] : memref<4096x80xi32, #tpu.memory_space<hbm>> -> memref<128x80xi32, #tpu.memory_space<hbm>>
      tpu.enqueue_dma source(%dma_start3A_34 : memref<128x80xi32, #tpu.memory_space<hbm>>) target(%arg4 : memref<128x80xi32, #tpu.memory_space<vmem>>) target_semaphore(%run_scoped3A : memref<!tpu.dma_semaphore, #tpu.memory_space<semaphore_mem>>)
      %dma_wait3A = arith.constant 0 : i32
      %dma_wait3A_35 = tpu.memref_slice %arg2[%mul3A_24, %dma_wait3A] : memref<4096x80xi32, #tpu.memory_space<hbm>> -> memref<128x80xi32, #tpu.memory_space<hbm>>
      %dma_wait3A_36 = arith.constant 0 : i32
      %dma_wait3A_37 = tpu.memref_slice %arg2[%mul3A_24, %dma_wait3A_36] : memref<4096x80xi32, #tpu.memory_space<hbm>> -> memref<128x80xi32, #tpu.memory_space<hbm>>
      tpu.wait_dma2 semaphore(%run_scoped3A : memref<!tpu.dma_semaphore, #tpu.memory_space<semaphore_mem>>) src(%dma_wait3A_37 : memref<128x80xi32, #tpu.memory_space<hbm>>) dst(%arg4 : memref<128x80xi32, #tpu.memory_space<vmem>>)
      tpu.yield
    }) : () -> ()
    %scan3A_25 = arith.constant 0 : i32
    %scan3A_26 = arith.constant 0 : i32
    %scan3A_27 = arith.constant 128 : i32
    %scan3A_28 = arith.addi %scan3A_26, %scan3A_27 : i32
    %scan3A_29 = arith.constant 1 : i32
    scf.for %scan3A_32 = %scan3A_26 to %scan3A_28 step %scan3A_29  : i32 {
      "tpu.region"() ({
        %run_scoped3A = tpu.sem_alloc : memref<!tpu.dma_semaphore, #tpu.memory_space<semaphore_mem>>
        %dma_start3A = arith.constant 0 : i32
        %dma_start3A_33 = tpu.memref_slice %arg4[%scan3A_32, %dma_start3A] : memref<128x80xi32, #tpu.memory_space<vmem>> -> memref<1x80xi32, #tpu.memory_space<vmem>>
        %dma_start3A_34 = tpu.memref_squeeze %dma_start3A_33 : memref<1x80xi32, #tpu.memory_space<vmem>> -> memref<80xi32, #tpu.memory_space<vmem>>
        %dma_start3A_35 = arith.constant 0 : i32
        %dma_start3A_36 = arith.constant 0 : i32
        %dma_start3A_37 = tpu.memref_slice %arg7[%dma_start3A_35, %dma_start3A_36] : memref<10112x16xf32, #tpu.memory_space<vmem_shared>> -> memref<10112x16xf32, #tpu.memory_space<vmem_shared>>
        tpu.enqueue_indirect_dma source(%arg5 : memref<80x16xf32, #tpu.memory_space<vmem>>) target(%dma_start3A_37 : memref<10112x16xf32, #tpu.memory_space<vmem_shared>>) offsets(%dma_start3A_34 : memref<80xi32, #tpu.memory_space<vmem>>) semaphore(%run_scoped3A : memref<!tpu.dma_semaphore, #tpu.memory_space<semaphore_mem>>) {add = true}
        %dma_wait3A = arith.constant 0 : i32
        %dma_wait3A_38 = tpu.memref_slice %arg4[%scan3A_32, %dma_wait3A] : memref<128x80xi32, #tpu.memory_space<vmem>> -> memref<1x80xi32, #tpu.memory_space<vmem>>
        %dma_wait3A_39 = tpu.memref_squeeze %dma_wait3A_38 : memref<1x80xi32, #tpu.memory_space<vmem>> -> memref<80xi32, #tpu.memory_space<vmem>>
        %dma_wait3A_40 = arith.constant 0 : i32
        %dma_wait3A_41 = arith.constant 0 : i32
        %dma_wait3A_42 = tpu.memref_slice %arg7[%dma_wait3A_40, %dma_wait3A_41] : memref<10112x16xf32, #tpu.memory_space<vmem_shared>> -> memref<10112x16xf32, #tpu.memory_space<vmem_shared>>
        tpu.wait_indirect_dma semaphore(%run_scoped3A : memref<!tpu.dma_semaphore, #tpu.memory_space<semaphore_mem>>) src(%arg5 : memref<80x16xf32, #tpu.memory_space<vmem>>) dst(%dma_wait3A_42 : memref<10112x16xf32, #tpu.memory_space<vmem_shared>>)
        tpu.yield
      }) : () -> ()
    }
    %scan3A_30 = arith.constant 128 : i32
    %barrier3A_31 = arith.constant 0 : index
    tpu.barrier barrier_id(%barrier3A_31)
    "tpu.region"() ({
      %run_scoped3A = tpu.sem_alloc : memref<!tpu.dma_semaphore, #tpu.memory_space<semaphore_mem>>
      %dma_start3A = arith.constant 0 : i32
      %dma_start3A_32 = tpu.memref_slice %arg3[%arg0, %mul3A_16, %dma_start3A] : memref<2x10112x16xf32, #tpu.memory_space<hbm>> -> memref<1x632x16xf32, #tpu.memory_space<hbm>>
      %dma_start3A_33 = tpu.memref_squeeze %dma_start3A_32 : memref<1x632x16xf32, #tpu.memory_space<hbm>> -> memref<632x16xf32, #tpu.memory_space<hbm>>
      %dma_start3A_34 = arith.constant 0 : i32
      %dma_start3A_35 = tpu.memref_slice %arg7[%mul3A_16, %dma_start3A_34] : memref<10112x16xf32, #tpu.memory_space<vmem_shared>> -> memref<632x16xf32, #tpu.memory_space<vmem_shared>>
      tpu.enqueue_dma source(%dma_start3A_35 : memref<632x16xf32, #tpu.memory_space<vmem_shared>>) target(%dma_start3A_33 : memref<632x16xf32, #tpu.memory_space<hbm>>) target_semaphore(%run_scoped3A : memref<!tpu.dma_semaphore, #tpu.memory_space<semaphore_mem>>)
      %dma_wait3A = arith.constant 0 : i32
      %dma_wait3A_36 = tpu.memref_slice %arg3[%arg0, %mul3A_16, %dma_wait3A] : memref<2x10112x16xf32, #tpu.memory_space<hbm>> -> memref<1x632x16xf32, #tpu.memory_space<hbm>>
      %dma_wait3A_37 = tpu.memref_squeeze %dma_wait3A_36 : memref<1x632x16xf32, #tpu.memory_space<hbm>> -> memref<632x16xf32, #tpu.memory_space<hbm>>
      %dma_wait3A_38 = arith.constant 0 : i32
      %dma_wait3A_39 = tpu.memref_slice %arg7[%mul3A_16, %dma_wait3A_38] : memref<10112x16xf32, #tpu.memory_space<vmem_shared>> -> memref<632x16xf32, #tpu.memory_space<vmem_shared>>
      tpu.wait_dma2 semaphore(%run_scoped3A : memref<!tpu.dma_semaphore, #tpu.memory_space<semaphore_mem>>) src(%dma_wait3A_39 : memref<632x16xf32, #tpu.memory_space<vmem_shared>>) dst(%dma_wait3A_37 : memref<632x16xf32, #tpu.memory_space<hbm>>)
      tpu.yield
    }) : () -> ()
    return
  }
}

module attributes {stable_mosaic.version = 14 : i64} {
  func.func @body(%arg0: i32, %arg1: memref<1264x128xf32, #tpu.memory_space<vmem>>, %arg2: memref<128x128xf32, #tpu.memory_space<vmem>>, %arg3: memref<1264x16xf32, #tpu.memory_space<vmem>>, %arg4: memref<1264x16xf32, #tpu.memory_space<vmem>>, %arg5: memref<1264x16xf32, #tpu.memory_space<vmem>>, %arg6: memref<1264x16xf32, #tpu.memory_space<vmem>>, %arg7: memref<1264x128xf32, #tpu.memory_space<vmem>>, %arg8: memref<1264x128xf32, #tpu.memory_space<vmem>>, %arg9: memref<1264x128xf32, #tpu.memory_space<vmem>>) attributes {dimension_semantics = [#tpu.dimension_semantics<arbitrary>], iteration_bounds = array<i64: 8>, scalar_prefetch = 0 : i64, scratch_operands = 0 : i64, tpu.core_type = #tpu.core_type<tc>, window_params = [{transform_indices = @transform_0, window_bounds = array<i64: 1264, 128>}, {pipeline_mode = #tpu.pipeline_mode<synchronous>, transform_indices = @transform_1, window_bounds = array<i64: 128, 128>}, {transform_indices = @transform_2, window_bounds = array<i64: 1264, 16>}, {transform_indices = @transform_3, window_bounds = array<i64: 1264, 16>}, {transform_indices = @transform_4, window_bounds = array<i64: 1264, 16>}, {transform_indices = @transform_5, window_bounds = array<i64: 1264, 16>}, {transform_indices = @transform_6, window_bounds = array<i64: 1264, 128>}, {transform_indices = @transform_7, window_bounds = array<i64: 1264, 128>}, {transform_indices = @transform_8, window_bounds = array<i64: 1264, 128>}]} {
    %get3A = arith.constant 0 : index
    %get3A_0 = arith.constant 0 : index
    %get3A_1 = vector.load %arg3[%get3A, %get3A_0] : memref<1264x16xf32, #tpu.memory_space<vmem>>, vector<1264x1xf32>
    %get3A_2 = arith.constant 0 : index
    %get3A_3 = arith.constant 0 : index
    %get3A_4 = vector.load %arg4[%get3A_2, %get3A_3] : memref<1264x16xf32, #tpu.memory_space<vmem>>, vector<1264x1xf32>
    %add3A = arith.addf %get3A_1, %get3A_4 : vector<1264x1xf32>
    %max3A = arith.constant 1.000000e+00 : f32
    %max3A_5 = vector.broadcast %max3A : f32 to vector<1264x1xf32>
    %max3A_6 = arith.maximumf %add3A, %max3A_5 : vector<1264x1xf32>
    %get3A_7 = arith.constant 0 : index
    %get3A_8 = arith.constant 0 : index
    %get3A_9 = vector.load %arg5[%get3A_7, %get3A_8] : memref<1264x16xf32, #tpu.memory_space<vmem>>, vector<1264x1xf32>
    %get3A_10 = arith.constant 0 : index
    %get3A_11 = arith.constant 0 : index
    %get3A_12 = vector.load %arg6[%get3A_10, %get3A_11] : memref<1264x16xf32, #tpu.memory_space<vmem>>, vector<1264x1xf32>
    %add3A_13 = arith.addf %get3A_9, %get3A_12 : vector<1264x1xf32>
    %max3A_14 = arith.constant 1.000000e+00 : f32
    %max3A_15 = vector.broadcast %max3A_14 : f32 to vector<1264x1xf32>
    %max3A_16 = arith.maximumf %add3A_13, %max3A_15 : vector<1264x1xf32>
    %rsqrt3A = math.rsqrt %max3A_6 : vector<1264x1xf32>
    %broadcast_in_dim3A = vector.shape_cast %rsqrt3A : vector<1264x1xf32> to vector<1264x1xf32>
    %broadcast_in_dim3A_17 = vector.broadcast %broadcast_in_dim3A : vector<1264x1xf32> to vector<1264x128xf32>
    %rsqrt3A_18 = math.rsqrt %max3A_16 : vector<1264x1xf32>
    %broadcast_in_dim3A_19 = vector.shape_cast %rsqrt3A_18 : vector<1264x1xf32> to vector<1264x1xf32>
    %broadcast_in_dim3A_20 = vector.broadcast %broadcast_in_dim3A_19 : vector<1264x1xf32> to vector<1264x128xf32>
    %get3A_21 = arith.constant 0 : index
    %get3A_22 = arith.constant 0 : index
    %get3A_23 = vector.load %arg1[%get3A_21, %get3A_22] : memref<1264x128xf32, #tpu.memory_space<vmem>>, vector<1264x128xf32>
    %get3A_24 = arith.constant 0 : index
    %get3A_25 = arith.constant 0 : index
    %get3A_26 = vector.load %arg2[%get3A_24, %get3A_25] : memref<128x128xf32, #tpu.memory_space<vmem>>, vector<128x128xf32>
    %dot_general3A = arith.constant dense<0.000000e+00> : vector<1264x128xf32>
    %dot_general3A_27 = tpu.matmul %get3A_23, %get3A_26, %dot_general3A {dimension_numbers = #tpu.dot_dimension_numbers<[1], [0], [0], [1], [0, 0, 1, 1], [], []>, precision = #tpu.contract_precision<fp32>, transpose_lhs_hint = false} : vector<1264x128xf32>, vector<128x128xf32>, vector<1264x128xf32> -> vector<1264x128xf32>
    %mul3A = arith.mulf %dot_general3A_27, %broadcast_in_dim3A_17 : vector<1264x128xf32>
    %swap3A = arith.constant 0 : index
    %swap3A_28 = arith.constant 0 : index
    %swap3A_29 = vector.load %arg7[%swap3A, %swap3A_28] : memref<1264x128xf32, #tpu.memory_space<vmem>>, vector<1264x128xf32>
    tpu.vector_store %arg7[%swap3A, %swap3A_28], %mul3A {strides = array<i32>} : memref<1264x128xf32, #tpu.memory_space<vmem>>, vector<1264x128xf32>,
    %swap3A_30 = arith.constant 0 : index
    %swap3A_31 = arith.constant 0 : index
    %swap3A_32 = vector.load %arg8[%swap3A_30, %swap3A_31] : memref<1264x128xf32, #tpu.memory_space<vmem>>, vector<1264x128xf32>
    tpu.vector_store %arg8[%swap3A_30, %swap3A_31], %broadcast_in_dim3A_17 {strides = array<i32>} : memref<1264x128xf32, #tpu.memory_space<vmem>>, vector<1264x128xf32>,
    %swap3A_33 = arith.constant 0 : index
    %swap3A_34 = arith.constant 0 : index
    %swap3A_35 = vector.load %arg9[%swap3A_33, %swap3A_34] : memref<1264x128xf32, #tpu.memory_space<vmem>>, vector<1264x128xf32>
    tpu.vector_store %arg9[%swap3A_33, %swap3A_34], %broadcast_in_dim3A_20 {strides = array<i32>} : memref<1264x128xf32, #tpu.memory_space<vmem>>, vector<1264x128xf32>,
    return
  }
  func.func @transform_0(%arg0: i32) -> (i32, i32) {
    %c0_i32 = arith.constant 0 : i32
    %c0_i32_0 = arith.constant 0 : i32
    return %arg0, %c0_i32 : i32, i32
  }
  func.func @transform_1(%arg0: i32) -> (i32, i32) {
    %c0_i32 = arith.constant 0 : i32
    %c0_i32_0 = arith.constant 0 : i32
    %c0_i32_1 = arith.constant 0 : i32
    return %c0_i32, %c0_i32_0 : i32, i32
  }
  func.func @transform_2(%arg0: i32) -> (i32, i32) {
    %c0_i32 = arith.constant 0 : i32
    %c0_i32_0 = arith.constant 0 : i32
    return %arg0, %c0_i32 : i32, i32
  }
  func.func @transform_3(%arg0: i32) -> (i32, i32) {
    %c0_i32 = arith.constant 0 : i32
    %c0_i32_0 = arith.constant 0 : i32
    return %arg0, %c0_i32 : i32, i32
  }
  func.func @transform_4(%arg0: i32) -> (i32, i32) {
    %c0_i32 = arith.constant 0 : i32
    %c0_i32_0 = arith.constant 0 : i32
    return %arg0, %c0_i32 : i32, i32
  }
  func.func @transform_5(%arg0: i32) -> (i32, i32) {
    %c0_i32 = arith.constant 0 : i32
    %c0_i32_0 = arith.constant 0 : i32
    return %arg0, %c0_i32 : i32, i32
  }
  func.func @transform_6(%arg0: i32) -> (i32, i32) {
    %c0_i32 = arith.constant 0 : i32
    %c0_i32_0 = arith.constant 0 : i32
    return %arg0, %c0_i32 : i32, i32
  }
  func.func @transform_7(%arg0: i32) -> (i32, i32) {
    %c0_i32 = arith.constant 0 : i32
    %c0_i32_0 = arith.constant 0 : i32
    return %arg0, %c0_i32 : i32, i32
  }
  func.func @transform_8(%arg0: i32) -> (i32, i32) {
    %c0_i32 = arith.constant 0 : i32
    %c0_i32_0 = arith.constant 0 : i32
    return %arg0, %c0_i32 : i32, i32
  }
}

module attributes {stable_mosaic.version = 14 : i64} {
  func.func @body(%arg0: i32, %arg1: memref<1264x128xf32, #tpu.memory_space<vmem>>, %arg2: memref<1264x128xf32, #tpu.memory_space<vmem>>, %arg3: memref<1264x128xf32, #tpu.memory_space<vmem>>, %arg4: memref<1264x128xf32, #tpu.memory_space<vmem>>, %arg5: memref<1x128xf32, #tpu.memory_space<vmem>>, %arg6: memref<128x128xf32, #tpu.memory_space<vmem>>, %arg7: memref<1264x128xf32, #tpu.memory_space<vmem>>) attributes {dimension_semantics = [#tpu.dimension_semantics<arbitrary>], iteration_bounds = array<i64: 8>, scalar_prefetch = 0 : i64, scratch_operands = 0 : i64, tpu.core_type = #tpu.core_type<tc>, window_params = [{transform_indices = @transform_0, window_bounds = array<i64: 1264, 128>}, {transform_indices = @transform_1, window_bounds = array<i64: 1264, 128>}, {transform_indices = @transform_2, window_bounds = array<i64: 1264, 128>}, {transform_indices = @transform_3, window_bounds = array<i64: 1264, 128>}, {pipeline_mode = #tpu.pipeline_mode<synchronous>, transform_indices = @transform_4, window_bounds = array<i64: 1, 128>}, {pipeline_mode = #tpu.pipeline_mode<synchronous>, transform_indices = @transform_5, window_bounds = array<i64: 128, 128>}, {transform_indices = @transform_6, window_bounds = array<i64: 1264, 128>}]} {
    %get3A = arith.constant 0 : index
    %get3A_0 = arith.constant 0 : index
    %get3A_1 = vector.load %arg1[%get3A, %get3A_0] : memref<1264x128xf32, #tpu.memory_space<vmem>>, vector<1264x128xf32>
    %get3A_2 = arith.constant 0 : index
    %get3A_3 = arith.constant 0 : index
    %get3A_4 = vector.load %arg2[%get3A_2, %get3A_3] : memref<1264x128xf32, #tpu.memory_space<vmem>>, vector<1264x128xf32>
    %add3A = arith.addf %get3A_1, %get3A_4 : vector<1264x128xf32>
    %get3A_5 = arith.constant 0 : index
    %get3A_6 = arith.constant 0 : index
    %get3A_7 = vector.load %arg3[%get3A_5, %get3A_6] : memref<1264x128xf32, #tpu.memory_space<vmem>>, vector<1264x128xf32>
    %mul3A = arith.mulf %add3A, %get3A_7 : vector<1264x128xf32>
    %get3A_8 = arith.constant 0 : index
    %get3A_9 = arith.constant 0 : index
    %get3A_10 = vector.load %arg5[%get3A_8, %get3A_9] : memref<1x128xf32, #tpu.memory_space<vmem>>, vector<1x128xf32>
    %add3A_11 = vector.broadcast %get3A_10 : vector<1x128xf32> to vector<1264x128xf32>
    %add3A_12 = arith.addf %mul3A, %add3A_11 : vector<1264x128xf32>
    %ge3A = arith.constant 0.000000e+00 : f32
    %ge3A_13 = vector.broadcast %ge3A : f32 to vector<1264x128xf32>
    %ge3A_14 = arith.cmpf oge, %add3A_12, %ge3A_13 : vector<1264x128xf32>
    %mul3A_15 = arith.constant 0.00999999977 : f32
    %mul3A_16 = vector.broadcast %mul3A_15 : f32 to vector<1264x128xf32>
    %mul3A_17 = arith.mulf %add3A_12, %mul3A_16 : vector<1264x128xf32>
    %select_n3A = arith.select %ge3A_14, %add3A_12, %mul3A_17 : vector<1264x128xi1>, vector<1264x128xf32>
    %get3A_18 = arith.constant 0 : index
    %get3A_19 = arith.constant 0 : index
    %get3A_20 = vector.load %arg6[%get3A_18, %get3A_19] : memref<128x128xf32, #tpu.memory_space<vmem>>, vector<128x128xf32>
    %dot_general3A = arith.constant dense<0.000000e+00> : vector<1264x128xf32>
    %dot_general3A_21 = tpu.matmul %select_n3A, %get3A_20, %dot_general3A {dimension_numbers = #tpu.dot_dimension_numbers<[1], [0], [0], [1], [0, 0, 1, 1], [], []>, precision = #tpu.contract_precision<fp32>, transpose_lhs_hint = false} : vector<1264x128xf32>, vector<128x128xf32>, vector<1264x128xf32> -> vector<1264x128xf32>
    %get3A_22 = arith.constant 0 : index
    %get3A_23 = arith.constant 0 : index
    %get3A_24 = vector.load %arg4[%get3A_22, %get3A_23] : memref<1264x128xf32, #tpu.memory_space<vmem>>, vector<1264x128xf32>
    %mul3A_25 = arith.mulf %dot_general3A_21, %get3A_24 : vector<1264x128xf32>
    %swap3A = arith.constant 0 : index
    %swap3A_26 = arith.constant 0 : index
    %swap3A_27 = vector.load %arg7[%swap3A, %swap3A_26] : memref<1264x128xf32, #tpu.memory_space<vmem>>, vector<1264x128xf32>
    tpu.vector_store %arg7[%swap3A, %swap3A_26], %mul3A_25 {strides = array<i32>} : memref<1264x128xf32, #tpu.memory_space<vmem>>, vector<1264x128xf32>,
    return
  }
  func.func @transform_0(%arg0: i32) -> (i32, i32) {
    %c0_i32 = arith.constant 0 : i32
    %c0_i32_0 = arith.constant 0 : i32
    return %arg0, %c0_i32 : i32, i32
  }
  func.func @transform_1(%arg0: i32) -> (i32, i32) {
    %c0_i32 = arith.constant 0 : i32
    %c0_i32_0 = arith.constant 0 : i32
    return %arg0, %c0_i32 : i32, i32
  }
  func.func @transform_2(%arg0: i32) -> (i32, i32) {
    %c0_i32 = arith.constant 0 : i32
    %c0_i32_0 = arith.constant 0 : i32
    return %arg0, %c0_i32 : i32, i32
  }
  func.func @transform_3(%arg0: i32) -> (i32, i32) {
    %c0_i32 = arith.constant 0 : i32
    %c0_i32_0 = arith.constant 0 : i32
    return %arg0, %c0_i32 : i32, i32
  }
  func.func @transform_4(%arg0: i32) -> (i32, i32) {
    %c0_i32 = arith.constant 0 : i32
    %c0_i32_0 = arith.constant 0 : i32
    %c0_i32_1 = arith.constant 0 : i32
    return %c0_i32, %c0_i32_0 : i32, i32
  }
  func.func @transform_5(%arg0: i32) -> (i32, i32) {
    %c0_i32 = arith.constant 0 : i32
    %c0_i32_0 = arith.constant 0 : i32
    %c0_i32_1 = arith.constant 0 : i32
    return %c0_i32, %c0_i32_0 : i32, i32
  }
  func.func @transform_6(%arg0: i32) -> (i32, i32) {
    %c0_i32 = arith.constant 0 : i32
    %c0_i32_0 = arith.constant 0 : i32
    return %arg0, %c0_i32 : i32, i32
  }
}

module attributes {stable_mosaic.version = 14 : i64} {
  func.func @body(%arg0: i32, %arg1: memref<1264x128xf32, #tpu.memory_space<vmem>>, %arg2: memref<1264x128xf32, #tpu.memory_space<vmem>>, %arg3: memref<1264x128xf32, #tpu.memory_space<vmem>>, %arg4: memref<1x128xf32, #tpu.memory_space<vmem>>, %arg5: memref<1264x128xf32, #tpu.memory_space<vmem>>) attributes {dimension_semantics = [#tpu.dimension_semantics<arbitrary>], iteration_bounds = array<i64: 8>, scalar_prefetch = 0 : i64, scratch_operands = 0 : i64, tpu.core_type = #tpu.core_type<tc>, window_params = [{transform_indices = @transform_0, window_bounds = array<i64: 1264, 128>}, {transform_indices = @transform_1, window_bounds = array<i64: 1264, 128>}, {transform_indices = @transform_2, window_bounds = array<i64: 1264, 128>}, {pipeline_mode = #tpu.pipeline_mode<synchronous>, transform_indices = @transform_3, window_bounds = array<i64: 1, 128>}, {transform_indices = @transform_4, window_bounds = array<i64: 1264, 128>}]} {
    %get3A = arith.constant 0 : index
    %get3A_0 = arith.constant 0 : index
    %get3A_1 = vector.load %arg1[%get3A, %get3A_0] : memref<1264x128xf32, #tpu.memory_space<vmem>>, vector<1264x128xf32>
    %get3A_2 = arith.constant 0 : index
    %get3A_3 = arith.constant 0 : index
    %get3A_4 = vector.load %arg2[%get3A_2, %get3A_3] : memref<1264x128xf32, #tpu.memory_space<vmem>>, vector<1264x128xf32>
    %add3A = arith.addf %get3A_1, %get3A_4 : vector<1264x128xf32>
    %get3A_5 = arith.constant 0 : index
    %get3A_6 = arith.constant 0 : index
    %get3A_7 = vector.load %arg3[%get3A_5, %get3A_6] : memref<1264x128xf32, #tpu.memory_space<vmem>>, vector<1264x128xf32>
    %mul3A = arith.mulf %add3A, %get3A_7 : vector<1264x128xf32>
    %get3A_8 = arith.constant 0 : index
    %get3A_9 = arith.constant 0 : index
    %get3A_10 = vector.load %arg4[%get3A_8, %get3A_9] : memref<1x128xf32, #tpu.memory_space<vmem>>, vector<1x128xf32>
    %add3A_11 = vector.broadcast %get3A_10 : vector<1x128xf32> to vector<1264x128xf32>
    %add3A_12 = arith.addf %mul3A, %add3A_11 : vector<1264x128xf32>
    %swap3A = arith.constant 0 : index
    %swap3A_13 = arith.constant 0 : index
    %swap3A_14 = vector.load %arg5[%swap3A, %swap3A_13] : memref<1264x128xf32, #tpu.memory_space<vmem>>, vector<1264x128xf32>
    tpu.vector_store %arg5[%swap3A, %swap3A_13], %add3A_12 {strides = array<i32>} : memref<1264x128xf32, #tpu.memory_space<vmem>>, vector<1264x128xf32>,
    return
  }
  func.func @transform_0(%arg0: i32) -> (i32, i32) {
    %c0_i32 = arith.constant 0 : i32
    %c0_i32_0 = arith.constant 0 : i32
    return %arg0, %c0_i32 : i32, i32
  }
  func.func @transform_1(%arg0: i32) -> (i32, i32) {
    %c0_i32 = arith.constant 0 : i32
    %c0_i32_0 = arith.constant 0 : i32
    return %arg0, %c0_i32 : i32, i32
  }
  func.func @transform_2(%arg0: i32) -> (i32, i32) {
    %c0_i32 = arith.constant 0 : i32
    %c0_i32_0 = arith.constant 0 : i32
    return %arg0, %c0_i32 : i32, i32
  }
  func.func @transform_3(%arg0: i32) -> (i32, i32) {
    %c0_i32 = arith.constant 0 : i32
    %c0_i32_0 = arith.constant 0 : i32
    %c0_i32_1 = arith.constant 0 : i32
    return %c0_i32, %c0_i32_0 : i32, i32
  }
  func.func @transform_4(%arg0: i32) -> (i32, i32) {
    %c0_i32 = arith.constant 0 : i32
    %c0_i32_0 = arith.constant 0 : i32
    return %arg0, %c0_i32 : i32, i32
  }
}

</mosaic_0001>

<sc_bundles>
// kernel: kernel.12.cloned.1.call-start
scs
__scs_entry_jumppad:
0x0: {  	(pc) =	sbr.rel $0x88, $3  }
0x1: {  	(tag) =	ssettag $0x0;
	lr =	simm.s32 $0x1  }
0x2: {  	[smem:$0x3F9B] =	sst lr;
	_ =	strace $0xD0000000  }
0x3: {  	_ = 	snop  }
0x4: {  	_ = 	snop  }
0x5: {  	_ = 	snop  }
0x6: {  	_ = 	snop  }
0x7: {  	_ = 	snop  }
__scs_overlays_trampoline_lowered:
0x8: {  	[smem:$0x3FAA] =	sst s0  }
0x9: {  	[smem:$0x3FAB] =	sst s1  }
0xa: {  	[smem:$0x3FAC] =	sst s2  }
0xb: {  	[smem:$0x3FAD] =	sst s3  }
0xc: {  	[smem:$0x3FAE] =	sst s4  }
0xd: {  	[smem:$0x3FAF] =	sst s5  }
0xe: {  	[smem:$0x3FB0] =	sst s6  }
0xf: {  	[smem:$0x3FB1] =	sst s7  }
0x10: {  	[smem:$0x3FB2] =	sst s8  }
0x11: {  	[smem:$0x3FB3] =	sst s9;
	s0 =	simm.s32 @!p0 $0x0  }
0x12: {  	s1 =	sld [smem:$0x3F99];
	s0 =	simm.s32 @p0 $0x1  }
0x13: {  	[smem:$0x3FB4] =	sst s0;
	s0 =	simm.s32 @!p1 $0x0  }
0x14: {  	s2 =	sld [smem:$0x3F98];
	s0 =	simm.s32 @p1 $0x1  }
0x15: {  	[smem:$0x3FB5] =	sst s0;
	s0 =	simm.s32 @!p2 $0x0  }
0x16: {  	s3 =	sld [smem:$0x3FDB];
	s0 =	simm.s32 @p2 $0x1  }
0x17: {  	s4 =	simm.s32 $0x1BF5;
	[smem:$0x3FB7] =	sst s0  }
0x18: {  	s0 =	sld [smem:$0x3F9A];
	_ =	swait.ge [sflag:s4], $0x0  }
0x19: {  	s7 =	sld [smem:$0x3F9B]  }
0x1a: {  	s8 =	sadd.s32 $0xFFFFE003, lr  }
0x1b: {  	s9 =	sadd.s32 $0xFFFFFEF7, lr;
	s5 =	simm.s32 $0xFFFFFFFF;
	p2 =	slt.u32 s8, $0xFFFFF086  }
0x1c: {  	p1 =	slt.u32 s9, $0xF7A;
	s5 =	simm.s32 @!p2 $0x0  }
0x1d: {  	s5 =	simm.s32 @p1 $0x1;
	p0 =	seq.s32 s7, s2  }
0x1e: {  	s7 =	smul.u32 @!p0 $0xF7A, s2;
	p2 =	seq.s32 @!p0 s5, $0x0  }
0x1f: {  	s9 =	smul.u32 $0xF7A, s1;
	s8 =	simm.s32 @!p0 $0x1BF5;
	p2 =	por !p2, p0  }
0x20: {  	[sflag:s8] =	ssyncset.s32 @!p0 $0xFFFFF086;
	s6 =	sadd.s32 @!p0 s3, s7;
	s7 =	simm.s32 @!p0 $0x108  }
0x21: {  	s3 =	sadd.s32 s3, s9;
	s6 =	sadd.s32 @!p0 $0x88, s6;
	s7 =	simm.s32 @p2 $0x1082  }
0x22: {  	[simem:s7], [sflag:s8] =	dma.local @!p0 [hbm:s6], $0xF7A  }
0x23: {  	s9 =	sor.u32 $0xD0000000, s2;
	s6 =	simm.s32 $0x108;
	_ =	swait.ge @!p0 [sflag:s8], $0x0  }
0x24: {  	s3 =	sadd.s32 $0x88, s3;
	s6 =	simm.s32 @!p1 $0x1082;
	[sflag:s4] =	ssyncset.s32 $0xFFFFF086  }
0x25: {  	[simem:s6], [sflag:s4] =	dma.local [hbm:s3], $0xF7A  }
0x26: {  	[smem:$0x3F9B] =	sst s1;
	(tag) =	ssettag s2;
	_ =	strace s9  }
0x27: {  	s1 =	sld [smem:$0x3FAB]  }
0x28: {  	s2 =	sld [smem:$0x3FAC]  }
0x29: {  	s4 =	sld [smem:$0x3FAE]  }
0x2a: {  	p0 =	seq.s32 s5, $0x0;
	s5 =	sld [smem:$0x3FAF]  }
0x2b: {  	s6 =	sld [smem:$0x3FB0]  }
0x2c: {  	s7 =	sld [smem:$0x3FB1]  }
0x2d: {  	s3 =	simm.s32 $0x108;
	s8 =	sld [smem:$0x3FB2]  }
0x2e: {  	s3 =	simm.s32 @!p0 $0x1082;
	s9 =	sld [smem:$0x3FB3]  }
0x2f: {  	lr =	sadd.s32 s0, s3;
	s0 =	sld [smem:$0x3FAA]  }
0x30: {  	s3 =	sld [smem:$0x3FAD]  }
0x31: {  	[smem:$0x3FB6] =	sst s10  }
0x32: {  	s10 =	sld [smem:$0x3FB4];
	_ =	sdelay $0x3  }
0x33: {  	p0 =	seq.s32 s10, $0x1;
	s10 =	sld [smem:$0x3FB6];
	_ =	sdelay $0x3  }
0x34: {  	[smem:$0x3FB6] =	sst s10  }
0x35: {  	s10 =	sld [smem:$0x3FB5];
	_ =	sdelay $0x3  }
0x36: {  	p1 =	seq.s32 s10, $0x1;
	s10 =	sld [smem:$0x3FB6];
	_ =	sdelay $0x3  }
0x37: {  	[smem:$0x3FB6] =	sst s10  }
0x38: {  	s10 =	sld [smem:$0x3FB7]  }
0x39: {  	_ = 	snop;
	(pc) =	sbr.ind lr, $3  }
0x3a: {  	_ = 	snop  }
0x3b: {  	_ = 	snop  }
0x3c: {  	p2 =	seq.s32 s10, $0x1;
	s10 =	sld [smem:$0x3FB6]  }
0x3d: {  	_ =	shalt  }
0x3e: {  	_ =	shalt  }
0x3f: {  	_ =	shalt  }
0x40: {  	_ =	shalt  }
0x41: {  	_ =	shalt  }
0x42: {  	_ =	shalt  }
0x43: {  	_ =	shalt  }
0x44: {  	_ =	shalt  }
0x45: {  	_ =	shalt  }
0x46: {  	_ =	shalt  }
0x47: {  	_ =	shalt  }
0x48: {  	_ =	shalt  }
0x49: {  	_ =	shalt  }
0x4a: {  	_ =	shalt  }
0x4b: {  	_ =	shalt  }
0x4c: {  	_ =	shalt  }
0x4d: {  	_ =	shalt  }
0x4e: {  	_ =	shalt  }
0x4f: {  	_ =	shalt  }
0x50: {  	_ =	shalt  }
0x51: {  	_ =	shalt  }
0x52: {  	_ =	shalt  }
0x53: {  	_ =	shalt  }
0x54: {  	_ =	shalt  }
0x55: {  	_ =	shalt  }
0x56: {  	_ =	shalt  }
0x57: {  	_ =	shalt  }
0x58: {  	_ =	shalt  }
0x59: {  	_ =	shalt  }
0x5a: {  	_ =	shalt  }
0x5b: {  	_ =	shalt  }
0x5c: {  	_ =	shalt  }
0x5d: {  	_ =	shalt  }
0x5e: {  	_ =	shalt  }
0x5f: {  	_ =	shalt  }
0x60: {  	_ =	shalt  }
0x61: {  	_ =	shalt  }
0x62: {  	_ =	shalt  }
0x63: {  	_ =	shalt  }
0x64: {  	_ =	shalt  }
0x65: {  	_ =	shalt  }
0x66: {  	_ =	shalt  }
0x67: {  	_ =	shalt  }
0x68: {  	_ =	shalt  }
0x69: {  	_ =	shalt  }
0x6a: {  	_ =	shalt  }
0x6b: {  	_ =	shalt  }
0x6c: {  	_ =	shalt  }
0x6d: {  	_ =	shalt  }
0x6e: {  	_ =	shalt  }
0x6f: {  	_ =	shalt  }
0x70: {  	_ =	shalt  }
0x71: {  	_ =	shalt  }
0x72: {  	_ =	shalt  }
0x73: {  	_ =	shalt  }
0x74: {  	_ =	shalt  }
0x75: {  	_ =	shalt  }
0x76: {  	_ =	shalt  }
0x77: {  	_ =	shalt  }
0x78: {  	_ =	shalt  }
0x79: {  	_ =	shalt  }
0x7a: {  	_ =	shalt  }
0x7b: {  	_ =	shalt  }
0x7c: {  	_ =	shalt  }
0x7d: {  	_ =	shalt  }
0x7e: {  	_ =	shalt  }
0x7f: {  	_ =	shalt  }
0x80: {  	_ =	shalt  }
0x81: {  	_ =	shalt  }
0x82: {  	_ =	shalt  }
0x83: {  	_ =	shalt  }
0x84: {  	_ =	shalt  }
0x85: {  	_ =	shalt  }
0x86: {  	_ =	shalt  }
0x87: {  	_ =	shalt  }
.Lfunc_end0:
.L_simem_size_0:
called_computation.1_lowered:
.L_overlay_start_0:
0x88: {  	s2 =	sld [smem:$0x3FD9]  }
0x89: {  	s3 =	sld [smem:$0x3FFE];
	_ =	sdelay $0x1  }
0x8a: {  	s1 =	srdreg.scid  }
0x8b: {  	s0 =	sand.u32 $0x1, s1  }
0x8c: {  	s17 =	sshll.u32 s0, $0xA;
	s2 =	sadd.s32 s3, s2  }
0x8d: {  	s2 =	sadd.s32 s2, s17  }
0x8e: {  	[smem:$0x3FC2] =	sst s2  }
0x8f: {  	_ = 	snop  }
0x90: {  	s2 =	sld [smem:$0x3FD0];
	(tm) =	ssettm $0x1  }
0x91: {  	s18 =	sld [smem:$0x3FFB];
	_ =	sdelay $0x3  }
0x92: {  	_ =	strace s18  }
0x93: {  	s3 =	sld [smem:$0x3FFC];
	_ =	sdelay $0x3  }
0x94: {  	_ =	strace s3  }
0x95: {  	s3 =	sld [smem:$0x3FFD];
	_ =	sdelay $0x3  }
0x96: {  	_ =	strace s3  }
0x97: {  	_ =	strace $0x8FFFFFFF  }
0x98: {  	s19 =	sld [smem:$0x3FDB];
	_ =	sdelay $0x1  }
0x99: {  	s4 =	simm.s32 $_scs_section_size  }
0x9a: {  	s5 =	simm.s32 $_size__tile_overlayer_lowered;
	s6 =	simm.s32 $_tile_overlayer_lowered  }
0x9b: {  	s22 =	simm.s32 $0x1BFF;
	s21 =	sshll.u32 s6, $0x1;
	s3 =	sadd.s32 s4, s19  }
0x9c: {  	s7 =	simm.s32 $0x0;
	s20 =	sshll.u32 s5, $0x1;
	s5 =	sadd.s32 s21, s3  }
0x9d: {  	[timem:s7], [sflag:s22] =	dma.local [hbm:s5], s20  }
0x9e: {  	_ =	swait.ge [sflag:s22], s20  }
0x9f: {  	s4 =	ssub.s32 $0x0, s20;
	[sflag:s22] =	ssyncset.done $0x0  }
0xa0: {  	[sflag:s22] =	ssyncadd.s32 s4;
	_ =	sdelay $0x1  }
0xa1: {  	s23 =	simm.s32 $0x1B8B  }
0xa2: {  	_ =	swait.ge [sflag:s23], $0x1  }
0xa3: {  	[sflag:s23] =	ssyncset.done $0x0  }
0xa4: {  	s25 =	simm.s32 $0x1B8E;
	s24 =	sld [smem:$0x3FFE];
	[sflag:s23] =	ssyncadd.s32 $0xFFFFFFFF  }
0xa5: {  	s26 =	simm.s32 $execute0_lowered;
	[smem:$0x3FD2] =	sst s25  }
0xa6: {  	s5 =	sshll.u32 s26, $0x1;
	_ =	strace $0x80000046;
	[dreg:$0x1] =	wrdreg $0xFFFFFFFF  }
0xa7: {  	s28 =	simm.s32 $_size_execute0_lowered;
	s3 =	sadd.s32 s3, s5;
	[dreg:$0x0] =	wrdreg $0x0  }
0xa8: {  	s5 =	sshll.u32 s28, $0x1;
	[dreg:$0x2] =	wrdreg s3  }
0xa9: {  	[dreg:$0x3] =	wrdreg s5  }
0xaa: {  	[dreg:$0x4] =	wrdreg $0xC0  }
0xab: {  	_ =	task [dreg:s7], $0x5FFFF  }
0xac: {  	[dreg:$0x1] =	wrdreg $0xFFFFFFFF  }
0xad: {  	[dreg:$0x0] =	wrdreg $0x60  }
0xae: {  	[dreg:$0x2] =	wrdreg s2  }
0xaf: {  	[dreg:$0x3] =	wrdreg s24  }
0xb0: {  	[dreg:$0x4] =	wrdreg $0x2D800  }
0xb1: {  	[dreg:$0x5] =	wrdreg $0xA  }
0xb2: {  	_ =	task.clear_ibuf [dreg:s7], $0x6FFFF;
	_ =	strace $0x90000046  }
0xb3: {  	s29 =	simm.s32 $0xA;
	_ =	strace $0x80000048  }
0xb4: {  	_ =	swait.ge [sflag:s29], $0x1  }
0xb5: {  	[sflag:s29] =	ssyncadd.s32 $0xFFFFFFFF  }
0xb6: {  	_ =	strace $0x90000048  }
0xb7: {  	_ =	sfence  }
0xb8: {  	s30 =	sld [smem:$0x0];
	_ =	sdelay $0x2  }
0xb9: {  	s31 =	sshll.u32 s1, $0xD;
	s1 =	sshrl.u32 s1, $0x2  }
0xba: {  	s3 =	sand.u32 $0x4000, s31;
	s1 =	sadd.s32 s1, s30  }
0xbb: {  	s0 =	sor.u32 s3, s0;
	s1 =	sshll.u32 s1, $0x11  }
0xbc: {  	s0 =	sor.u32 s1, s0  }
0xbd: {  	s0 =	sadd.s32 $0x8F2B, s0  }
0xbe: {  	[sflag:s0] =	ssyncadd.remote.s32 $0x1  }
0xbf: {  	_ =	sfence.sel $0xFFFF  }
0xc0: {  	[dreg:$0x0] =	wrdreg $0xFFFFFFFF;
	(pc) =	sbr.abs _section_cstart, $3  }
0xc1: {  	[dreg:$0x1] =	wrdreg $0xFFFFFFFF  }
0xc2: {  	_ =	task.clear_ibuf [dreg:s7], $0x2FFFF;
	_ =	strace $0x9FFFFFFF  }
0xc3: {  	(tm) =	ssettm $0x7FFFFFFF  }
tec
execute0_lowered:
.L_overlay_start_1:
0x0: {  	(tag) =	ssettag $0x1  }
0x1: {  	s5 =	rddreg [dreg:$0x0]  }
0x2: {  	s4 =	rddreg [dreg:$0x1]  }
0x3: {  	s1 =	rddreg [dreg:$0x2];
	s2 =	srdreg.scid  }
0x4: {  	s3 =	simm.s32 $0x0;
	s6 =	sand.u32 $0x1, s2;
	s2 =	stileid.u32  }
0x5: {  	[smem:$0x7FF] =	sst s3;
	s7 =	smul.u32 $0x27800, s6  }
0x6: {  	s0 =	rddreg [dreg:$0x3];
	s8 =	smul.u32 $0x2780, s2;
	_ =	strace $0x80000047  }
0x7: {  	s9 =	sshll.u32 s2, $0x8;
	s10 =	sshll.u32 s6, $0x7;
	s6 =	ssub.s32 $0x2, s6  }
0x8: {  	s11 =	smul.u32 $0x9E00, s2;
	s12 =	sshll.u32 s2, $0x6;
	s9 =	sor.u32 s10, s9  }
0x9: {  	s30 =	sshrl.u32 s6, $0x1;
	s12 =	sor.u32 $0x1C01, s12;
	s7 =	sadd.s32 s8, s7  }
0xa: {  	s9 =	smul.u32 $0xA, s9;
	s10 =	ssub.s32 s6, s30;
	s31 =	sshrl.u32 s11, $0x2  }
0xb: {  	s13 =	sadd.s32 s8, s1;
	s8 =	simm.s32 $0x2D00;
	s7 =	sshrl.u32 s7, $0x3  }
0xc: {  	s11 =	simm.s32 $0x2800;
	s13 =	sshrl.u32 s13, $0x3;
	s7 =	sadd.s32 s7, s4  }
0xd: {  	s4 =	sadd.s32 s31, s1;
	s5 =	sadd.s32 s5, s9;
	s9 =	simm.s32 $0x1  }
0xe: {  	v0 =	vimm.f32 $1.000000000e+00;
	v1 =	vimm.f32 $0.0e+00;
	s6 =	sadd.s32 $0x2600, s7;
	s7 =	smax.u32 s10, $0x1;
	s10 =	simm.s32 $0x50  }
.LBB2_1:
0xf: {  	s14 =	simm.s32 $0x40;
	s15 =	simm.s32 $0x0  }
.LBB2_2:
0x10: {  	p0 =	sne.s32 s14, $0x13C0;
	[tilespmem:s15+$0x2800] =	vst v0;
	s15 =	smov.u32 s14;
	s14 =	sadd.s32 $0x40, s14  }
.Ltmp0:
0x11: {  	(pc) =	sbr.rel @p0 .LBB2_2-.Ltmp0, $2  }
0x12: {  	_ =	sdelay $0x2  }
0x13: {  	s15 =	sshra.s32 s15, $0x2  }
0x14: {  	[tilespmem:s15+$0x2800] =	vst v0  }
0x15: {  	[tilespmem:$0x2D00] =	vst v1  }
0x16: {  	[tilespmem:$0x2D10] =	vst v1  }
0x17: {  	[tilespmem:$0x2D20] =	vst v1  }
0x18: {  	[tilespmem:$0x2D30] =	vst v1  }
0x19: {  	[tilespmem:$0x2D40] =	vst v1  }
0x1a: {  	[tilespmem:$0x2D50] =	vst v1  }
0x1b: {  	[tilespmem:$0x2D60] =	vst v1  }
0x1c: {  	s14 =	sadd.s32 $0x0, s4;
	[tilespmem:$0x2D70] =	vst v1  }
0x1d: {  	[spmem:s14] =	stream.linear.scatter [tilespmem:s8], [sflag:$0x1], $0x80, $0x38;
	[tilespmem:$0x5500] =	vst v63  }
0x1e: {  	s14 =	simm.s32 $0x200;
	_ =	swait.ge [sflag:s9], $0x80  }
.LBB2_4:
0x1f: {  	s15 =	sshra.s32 s14, $0x2;
	[sflag:s9] =	ssyncset.done $0x0;
	p0 =	sne.s32 s14, $0x9C00  }
.Ltmp1:
0x20: {  	s15 =	sadd.s32 s15, s4;
	[sflag:s9] =	ssyncadd.s32 $0xFFFFFF80;
	(pc) =	sbr.rel @p0 .LBB2_4-.Ltmp1, $3  }
0x21: {  	[spmem:s15] =	stream.linear.scatter [tilespmem:s8], [sflag:$0x1], $0x80, $0x38;
	[tilespmem:$0x5500] =	vst v63  }
0x22: {  	s14 =	sadd.s32 $0x200, s14;
	_ =	sdelay $0x1  }
0x23: {  	_ =	swait.ge [sflag:s9], $0x80  }
0x24: {  	[sflag:s9] =	ssyncset.done $0x0  }
0x25: {  	[sflag:s9] =	ssyncadd.s32 $0xFFFFFF80  }
0x26: {  	s14 =	simm.s32 $0x0;
	[bflag:$0x0] =	sbarrier.arrive $0xFFFF  }
0x27: {  	[tilespmem:s14], [sflag:$0x1] =	stream.linear.gather [hbm4b:s5+s14], $0x2800, $0x38;
	[tilespmem:$0x5500] =	vst v63  }
0x28: {  	_ =	swait.ge [sflag:s9], $0x2800  }
0x29: {  	[sflag:s9] =	ssyncset.done $0x0  }
0x2a: {  	s31 =	simm.s32 $0x0;
	[sflag:s9] =	ssyncadd.s32 $0xFFFFD800  }
0x2b: {  	[spmem:s1] =	stream.indirect.scatter.add.f32 [tilespmem:s11], [sflag:$0x1], $0x10, s31, s10, $0xb8;
	[tilespmem:$0x5500] =	vst v63  }
0x2c: {  	_ =	swait.ge [sflag:s9], $0x500  }
0x2d: {  	s14 =	simm.s32 $0x140;
	[sflag:s9] =	ssyncset.done $0x0  }
.LBB2_6:
0x2e: {  	s15 =	sshra.s32 s14, $0x2;
	[sflag:s9] =	ssyncadd.s32 $0xFFFFFB00;
	p0 =	sne.s32 s14, $0x9EC0  }
0x2f: {  	[spmem:s1] =	stream.indirect.scatter.add.f32 [tilespmem:s11], [sflag:$0x1], $0x10, s15, s10, $0xb8;
	[tilespmem:$0x5500] =	vst v63  }
.Ltmp2:
0x30: {  	_ = 	snop;
	(pc) =	sbr.rel @p0 .LBB2_6-.Ltmp2, $4  }
0x31: {  	_ = 	snop  }
0x32: {  	s14 =	sadd.s32 $0x140, s14  }
0x33: {  	_ =	swait.ge [sflag:s9], $0x500  }
0x34: {  	[sflag:s9] =	ssyncset.done $0x0  }
0x35: {  	s3 =	sadd.s32 $0x1, s3  }
0x36: {  	[sflag:s9] =	ssyncadd.s32 $0xFFFFFB00;
	p0 =	sne.s32 s3, s7  }
.Ltmp3:
0x37: {  	[bflag:$0x0] =	sbarrier.arrive $0xFFFF;
	(pc) =	sbr.rel @p0 .LBB2_1-.Ltmp3, $4  }
0x38: {  	[hbm:s6], [sflag:s12] =	dma.local [spmem:s13], $0x4F0  }
0x39: {  	_ =	swait.ge [sflag:s9], $0x4F0  }
0x3a: {  	[sflag:s9] =	ssyncset.done $0x0  }
0x3b: {  	[sflag:s9] =	ssyncadd.s32 $0xFFFFFB10  }
0x3c: {  	_ =	sfence.sel $0x180000  }
0x3d: {  	[bflag:$0x0] =	sbarrier.arrive $0xFFFF  }
0x3e: {  	p0 =	sne.s32 s2, $0x0;
	_ =	strace $0x90000047  }
0x3f: {  	s0 =	sadd.s32 @!p0 $0x100000, s0;
	[bflag:$0x2] =	sbarrier.arrive $0xFFFF  }
0x40: {  	[sflag:s0] =	ssyncadd.tile.s32 @!p0 $0x1;
	_ =	shalt  }
.Lfunc_end2:
_tile_overlayer_lowered:
.L_overlay_start_2:
0x41: {  	(tag) =	ssettag $0x2  }
0x42: {  	s0 =	rddreg [dreg:$0x0];
	s2 =	stileid.u32  }
0x43: {  	s1 =	rddreg [dreg:$0x1];
	p0 =	sne.s32 s2, $0x0  }
0x44: {  	s3 =	rddreg [dreg:$0x2];
	[bflag:$0x3] =	sbarrier.arrive $0xFFFF;
	s2 =	simm.s32 @!p0 $0x1C01  }
0x45: {  	[timem:s3], [sflag:s2] =	dma.local @!p0 [hbm:s0], s1  }
0x46: {  	s0 =	simm.s32 @!p0 $0x1  }
0x47: {  	_ =	swait.ge @!p0 [sflag:s0], s1  }
0x48: {  	s1 =	ssub.s32 @!p0 $0x0, s1;
	[sflag:s0] =	ssyncset.done @!p0 $0x0  }
0x49: {  	[sflag:s0] =	ssyncadd.s32 @!p0 s1  }
0x4a: {  	[bflag:$0x3] =	sbarrier.arrive $0xFFFF  }
0x4b: {  	_ =	shalt  }

// kernel: kernel.15.cloned.1.call-start
scs
__scs_entry_jumppad:
0x0: {  	(pc) =	sbr.rel $0x88, $3  }
0x1: {  	(tag) =	ssettag $0x0;
	lr =	simm.s32 $0x1  }
0x2: {  	[smem:$0x3F9B] =	sst lr;
	_ =	strace $0xD0000000  }
0x3: {  	_ = 	snop  }
0x4: {  	_ = 	snop  }
0x5: {  	_ = 	snop  }
0x6: {  	_ = 	snop  }
0x7: {  	_ = 	snop  }
__scs_overlays_trampoline_lowered:
0x8: {  	[smem:$0x3FAA] =	sst s0  }
0x9: {  	[smem:$0x3FAB] =	sst s1  }
0xa: {  	[smem:$0x3FAC] =	sst s2  }
0xb: {  	[smem:$0x3FAD] =	sst s3  }
0xc: {  	[smem:$0x3FAE] =	sst s4  }
0xd: {  	[smem:$0x3FAF] =	sst s5  }
0xe: {  	[smem:$0x3FB0] =	sst s6  }
0xf: {  	[smem:$0x3FB1] =	sst s7  }
0x10: {  	[smem:$0x3FB2] =	sst s8  }
0x11: {  	[smem:$0x3FB3] =	sst s9;
	s0 =	simm.s32 @!p0 $0x0  }
0x12: {  	s1 =	sld [smem:$0x3F99];
	s0 =	simm.s32 @p0 $0x1  }
0x13: {  	[smem:$0x3FB4] =	sst s0;
	s0 =	simm.s32 @!p1 $0x0  }
0x14: {  	s2 =	sld [smem:$0x3F98];
	s0 =	simm.s32 @p1 $0x1  }
0x15: {  	[smem:$0x3FB5] =	sst s0;
	s0 =	simm.s32 @!p2 $0x0  }
0x16: {  	s3 =	sld [smem:$0x3FDB];
	s0 =	simm.s32 @p2 $0x1  }
0x17: {  	s4 =	simm.s32 $0x1BF5;
	[smem:$0x3FB7] =	sst s0  }
0x18: {  	s0 =	sld [smem:$0x3F9A];
	_ =	swait.ge [sflag:s4], $0x0  }
0x19: {  	s7 =	sld [smem:$0x3F9B]  }
0x1a: {  	s8 =	sadd.s32 $0xFFFFE003, lr  }
0x1b: {  	s9 =	sadd.s32 $0xFFFFFEF7, lr;
	s5 =	simm.s32 $0xFFFFFFFF;
	p2 =	slt.u32 s8, $0xFFFFF086  }
0x1c: {  	p1 =	slt.u32 s9, $0xF7A;
	s5 =	simm.s32 @!p2 $0x0  }
0x1d: {  	s5 =	simm.s32 @p1 $0x1;
	p0 =	seq.s32 s7, s2  }
0x1e: {  	s7 =	smul.u32 @!p0 $0xF7A, s2;
	p2 =	seq.s32 @!p0 s5, $0x0  }
0x1f: {  	s9 =	smul.u32 $0xF7A, s1;
	s8 =	simm.s32 @!p0 $0x1BF5;
	p2 =	por !p2, p0  }
0x20: {  	[sflag:s8] =	ssyncset.s32 @!p0 $0xFFFFF086;
	s6 =	sadd.s32 @!p0 s3, s7;
	s7 =	simm.s32 @!p0 $0x108  }
0x21: {  	s3 =	sadd.s32 s3, s9;
	s6 =	sadd.s32 @!p0 $0x88, s6;
	s7 =	simm.s32 @p2 $0x1082  }
0x22: {  	[simem:s7], [sflag:s8] =	dma.local @!p0 [hbm:s6], $0xF7A  }
0x23: {  	s9 =	sor.u32 $0xD0000000, s2;
	s6 =	simm.s32 $0x108;
	_ =	swait.ge @!p0 [sflag:s8], $0x0  }
0x24: {  	s3 =	sadd.s32 $0x88, s3;
	s6 =	simm.s32 @!p1 $0x1082;
	[sflag:s4] =	ssyncset.s32 $0xFFFFF086  }
0x25: {  	[simem:s6], [sflag:s4] =	dma.local [hbm:s3], $0xF7A  }
0x26: {  	[smem:$0x3F9B] =	sst s1;
	(tag) =	ssettag s2;
	_ =	strace s9  }
0x27: {  	s1 =	sld [smem:$0x3FAB]  }
0x28: {  	s2 =	sld [smem:$0x3FAC]  }
0x29: {  	s4 =	sld [smem:$0x3FAE]  }
0x2a: {  	p0 =	seq.s32 s5, $0x0;
	s5 =	sld [smem:$0x3FAF]  }
0x2b: {  	s6 =	sld [smem:$0x3FB0]  }
0x2c: {  	s7 =	sld [smem:$0x3FB1]  }
0x2d: {  	s3 =	simm.s32 $0x108;
	s8 =	sld [smem:$0x3FB2]  }
0x2e: {  	s3 =	simm.s32 @!p0 $0x1082;
	s9 =	sld [smem:$0x3FB3]  }
0x2f: {  	lr =	sadd.s32 s0, s3;
	s0 =	sld [smem:$0x3FAA]  }
0x30: {  	s3 =	sld [smem:$0x3FAD]  }
0x31: {  	[smem:$0x3FB6] =	sst s10  }
0x32: {  	s10 =	sld [smem:$0x3FB4];
	_ =	sdelay $0x3  }
0x33: {  	p0 =	seq.s32 s10, $0x1;
	s10 =	sld [smem:$0x3FB6];
	_ =	sdelay $0x3  }
0x34: {  	[smem:$0x3FB6] =	sst s10  }
0x35: {  	s10 =	sld [smem:$0x3FB5];
	_ =	sdelay $0x3  }
0x36: {  	p1 =	seq.s32 s10, $0x1;
	s10 =	sld [smem:$0x3FB6];
	_ =	sdelay $0x3  }
0x37: {  	[smem:$0x3FB6] =	sst s10  }
0x38: {  	s10 =	sld [smem:$0x3FB7]  }
0x39: {  	_ = 	snop;
	(pc) =	sbr.ind lr, $3  }
0x3a: {  	_ = 	snop  }
0x3b: {  	_ = 	snop  }
0x3c: {  	p2 =	seq.s32 s10, $0x1;
	s10 =	sld [smem:$0x3FB6]  }
0x3d: {  	_ =	shalt  }
0x3e: {  	_ =	shalt  }
0x3f: {  	_ =	shalt  }
0x40: {  	_ =	shalt  }
0x41: {  	_ =	shalt  }
0x42: {  	_ =	shalt  }
0x43: {  	_ =	shalt  }
0x44: {  	_ =	shalt  }
0x45: {  	_ =	shalt  }
0x46: {  	_ =	shalt  }
0x47: {  	_ =	shalt  }
0x48: {  	_ =	shalt  }
0x49: {  	_ =	shalt  }
0x4a: {  	_ =	shalt  }
0x4b: {  	_ =	shalt  }
0x4c: {  	_ =	shalt  }
0x4d: {  	_ =	shalt  }
0x4e: {  	_ =	shalt  }
0x4f: {  	_ =	shalt  }
0x50: {  	_ =	shalt  }
0x51: {  	_ =	shalt  }
0x52: {  	_ =	shalt  }
0x53: {  	_ =	shalt  }
0x54: {  	_ =	shalt  }
0x55: {  	_ =	shalt  }
0x56: {  	_ =	shalt  }
0x57: {  	_ =	shalt  }
0x58: {  	_ =	shalt  }
0x59: {  	_ =	shalt  }
0x5a: {  	_ =	shalt  }
0x5b: {  	_ =	shalt  }
0x5c: {  	_ =	shalt  }
0x5d: {  	_ =	shalt  }
0x5e: {  	_ =	shalt  }
0x5f: {  	_ =	shalt  }
0x60: {  	_ =	shalt  }
0x61: {  	_ =	shalt  }
0x62: {  	_ =	shalt  }
0x63: {  	_ =	shalt  }
0x64: {  	_ =	shalt  }
0x65: {  	_ =	shalt  }
0x66: {  	_ =	shalt  }
0x67: {  	_ =	shalt  }
0x68: {  	_ =	shalt  }
0x69: {  	_ =	shalt  }
0x6a: {  	_ =	shalt  }
0x6b: {  	_ =	shalt  }
0x6c: {  	_ =	shalt  }
0x6d: {  	_ =	shalt  }
0x6e: {  	_ =	shalt  }
0x6f: {  	_ =	shalt  }
0x70: {  	_ =	shalt  }
0x71: {  	_ =	shalt  }
0x72: {  	_ =	shalt  }
0x73: {  	_ =	shalt  }
0x74: {  	_ =	shalt  }
0x75: {  	_ =	shalt  }
0x76: {  	_ =	shalt  }
0x77: {  	_ =	shalt  }
0x78: {  	_ =	shalt  }
0x79: {  	_ =	shalt  }
0x7a: {  	_ =	shalt  }
0x7b: {  	_ =	shalt  }
0x7c: {  	_ =	shalt  }
0x7d: {  	_ =	shalt  }
0x7e: {  	_ =	shalt  }
0x7f: {  	_ =	shalt  }
0x80: {  	_ =	shalt  }
0x81: {  	_ =	shalt  }
0x82: {  	_ =	shalt  }
0x83: {  	_ =	shalt  }
0x84: {  	_ =	shalt  }
0x85: {  	_ =	shalt  }
0x86: {  	_ =	shalt  }
0x87: {  	_ =	shalt  }
.Lfunc_end0:
.L_simem_size_0:
called_computation.2_lowered:
.L_overlay_start_0:
0x88: {  	s2 =	sld [smem:$0x3FD9]  }
0x89: {  	s3 =	sld [smem:$0x3FFE];
	_ =	sdelay $0x1  }
0x8a: {  	s1 =	srdreg.scid  }
0x8b: {  	s0 =	sand.u32 $0x1, s1  }
0x8c: {  	s17 =	sshll.u32 s0, $0xA;
	s2 =	sadd.s32 s3, s2  }
0x8d: {  	s2 =	sadd.s32 s2, s17  }
0x8e: {  	[smem:$0x3FC2] =	sst s2  }
0x8f: {  	_ = 	snop  }
0x90: {  	s2 =	sld [smem:$0x3FD0];
	(tm) =	ssettm $0x1  }
0x91: {  	s18 =	sld [smem:$0x3FFB];
	_ =	sdelay $0x3  }
0x92: {  	_ =	strace s18  }
0x93: {  	s3 =	sld [smem:$0x3FFC];
	_ =	sdelay $0x3  }
0x94: {  	_ =	strace s3  }
0x95: {  	s3 =	sld [smem:$0x3FFD];
	_ =	sdelay $0x3  }
0x96: {  	_ =	strace s3  }
0x97: {  	_ =	strace $0x8FFFFFFF  }
0x98: {  	s19 =	sld [smem:$0x3FDB];
	_ =	sdelay $0x1  }
0x99: {  	s4 =	simm.s32 $_scs_section_size  }
0x9a: {  	s5 =	simm.s32 $_size__tile_overlayer_lowered;
	s6 =	simm.s32 $_tile_overlayer_lowered  }
0x9b: {  	s22 =	simm.s32 $0x1BFF;
	s21 =	sshll.u32 s6, $0x1;
	s3 =	sadd.s32 s4, s19  }
0x9c: {  	s7 =	simm.s32 $0x0;
	s20 =	sshll.u32 s5, $0x1;
	s5 =	sadd.s32 s21, s3  }
0x9d: {  	[timem:s7], [sflag:s22] =	dma.local [hbm:s5], s20  }
0x9e: {  	_ =	swait.ge [sflag:s22], s20  }
0x9f: {  	s4 =	ssub.s32 $0x0, s20;
	[sflag:s22] =	ssyncset.done $0x0  }
0xa0: {  	[sflag:s22] =	ssyncadd.s32 s4;
	_ =	sdelay $0x1  }
0xa1: {  	s23 =	simm.s32 $0x1B8B  }
0xa2: {  	_ =	swait.ge [sflag:s23], $0x1  }
0xa3: {  	[sflag:s23] =	ssyncset.done $0x0  }
0xa4: {  	s25 =	simm.s32 $0x1B8E;
	s24 =	sld [smem:$0x3FFE];
	[sflag:s23] =	ssyncadd.s32 $0xFFFFFFFF  }
0xa5: {  	s26 =	simm.s32 $execute0_lowered;
	[smem:$0x3FD2] =	sst s25  }
0xa6: {  	s5 =	sshll.u32 s26, $0x1;
	_ =	strace $0x8000004C;
	[dreg:$0x1] =	wrdreg $0xFFFFFFFF  }
0xa7: {  	s28 =	simm.s32 $_size_execute0_lowered;
	s3 =	sadd.s32 s3, s5;
	[dreg:$0x0] =	wrdreg $0x0  }
0xa8: {  	s5 =	sshll.u32 s28, $0x1;
	[dreg:$0x2] =	wrdreg s3  }
0xa9: {  	[dreg:$0x3] =	wrdreg s5  }
0xaa: {  	[dreg:$0x4] =	wrdreg $0xC0  }
0xab: {  	_ =	task [dreg:s7], $0x5FFFF  }
0xac: {  	[dreg:$0x1] =	wrdreg $0xFFFFFFFF  }
0xad: {  	[dreg:$0x0] =	wrdreg $0x60  }
0xae: {  	[dreg:$0x2] =	wrdreg s24  }
0xaf: {  	[dreg:$0x3] =	wrdreg s2  }
0xb0: {  	[dreg:$0x4] =	wrdreg $0x50000  }
0xb1: {  	[dreg:$0x5] =	wrdreg $0x9  }
0xb2: {  	_ =	task.clear_ibuf [dreg:s7], $0x6FFFF;
	_ =	strace $0x9000004C  }
0xb3: {  	s29 =	simm.s32 $0x9;
	_ =	strace $0x8000004E  }
0xb4: {  	_ =	swait.ge [sflag:s29], $0x1  }
0xb5: {  	[sflag:s29] =	ssyncadd.s32 $0xFFFFFFFF  }
0xb6: {  	_ =	strace $0x9000004E  }
0xb7: {  	_ =	sfence  }
0xb8: {  	s30 =	sld [smem:$0x0];
	_ =	sdelay $0x2  }
0xb9: {  	s31 =	sshll.u32 s1, $0xD;
	s1 =	sshrl.u32 s1, $0x2  }
0xba: {  	s3 =	sand.u32 $0x4000, s31;
	s1 =	sadd.s32 s1, s30  }
0xbb: {  	s0 =	sor.u32 s3, s0;
	s1 =	sshll.u32 s1, $0x11  }
0xbc: {  	s0 =	sor.u32 s1, s0  }
0xbd: {  	s0 =	sadd.s32 $0x8F2B, s0  }
0xbe: {  	[sflag:s0] =	ssyncadd.remote.s32 $0x1  }
0xbf: {  	_ =	sfence.sel $0xFFFF  }
0xc0: {  	[dreg:$0x0] =	wrdreg $0xFFFFFFFF;
	(pc) =	sbr.abs _section_cstart, $3  }
0xc1: {  	[dreg:$0x1] =	wrdreg $0xFFFFFFFF  }
0xc2: {  	_ =	task.clear_ibuf [dreg:s7], $0x2FFFF;
	_ =	strace $0x9FFFFFFF  }
0xc3: {  	(tm) =	ssettm $0x7FFFFFFF  }
tec
execute0_lowered:
.L_overlay_start_1:
0x0: {  	(tag) =	ssettag $0x1  }
0x1: {  	s5 =	rddreg [dreg:$0x0]  }
0x2: {  	s7 =	rddreg [dreg:$0x1]  }
0x3: {  	s2 =	rddreg [dreg:$0x2]  }
0x4: {  	s0 =	rddreg [dreg:$0x3]  }
0x5: {  	s4 =	srdreg.scid;
	s3 =	simm.s32 $0x0;
	s1 =	stileid.u32  }
0x6: {  	s14 =	simm.s32 $0x3;
	s15 =	simm.s32 $0x50;
	s16 =	simm.s32 $0x1B400  }
0x7: {  	s17 =	simm.s32 $0x4F60;
	s18 =	simm.s32 $0x4FB0;
	s20 =	simm.s32 $0x0  }
0x8: {  	s6 =	sand.u32 $0x1, s4;
	s30 =	sshll.u32 s1, $0x7;
	s10 =	smul.u32 $0x13C00, s1  }
0x9: {  	[smem:$0x7FF] =	sst s3;
	s11 =	smul.u32 $0x4F000, s1;
	s8 =	sshll.u32 s6, $0xB  }
0xa: {  	s9 =	smul.u32 $0x13C000, s6;
	_ =	strace $0x8000004D;
	s6 =	ssub.s32 $0x2, s6  }
0xb: {  	s4 =	sor.u32 s8, s30;
	s31 =	sshrl.u32 s6, $0x1;
	s11 =	sshrl.u32 s11, $0x2  }
0xc: {  	s19 =	sadd.s32 s10, s2;
	s8 =	smul.u32 $0xA, s4;
	s4 =	sadd.s32 $0x16400, s5  }
0xd: {  	s9 =	sadd.s32 s10, s9;
	s13 =	ssub.s32 s6, s31;
	s10 =	simm.s32 $0x18C00  }
0xe: {  	s19 =	sshrl.u32 s19, $0x3;
	s9 =	sshrl.u32 s9, $0x3;
	s12 =	sadd.s32 s8, s5  }
0xf: {  	s9 =	sadd.s32 s9, s5;
	s5 =	sadd.s32 s11, s2;
	s7 =	sadd.s32 s7, s8  }
0x10: {  	s11 =	simm.s32 $0x1;
	s6 =	sadd.s32 $0xC400, s12;
	s8 =	sadd.s32 $0x65400, s9  }
0x11: {  	v0 =	vimm.f32 $0.0e+00;
	s9 =	smax.u32 s13, $0x1;
	s12 =	simm.s32 $0x2;
	s13 =	simm.s32 $0x2800  }
.LBB2_1:
0x12: {  	s21 =	simm.s32 $0x0;
	s22 =	simm.s32 $0x0  }
.LBB2_2:
0x13: {  	p0 =	sne.s32 s22, $0xFC0  }
.Ltmp0:
0x14: {  	_ = 	snop;
	(pc) =	sbr.rel @p0 .LBB2_2-.Ltmp0, $4  }
0x15: {  	s23 =	sand.u32 $0xE00, s22  }
0x16: {  	s24 =	sand.u32 $0x70, s21;
	s23 =	sshrl.u32 s23, $0x2  }
0x17: {  	s23 =	sor.u32 s24, s23  }
0x18: {  	s21 =	sadd.s32 $0x10, s21;
	s22 =	sadd.s32 $0x40, s22;
	[tilespmem:s23+$0x18C00] =	vst v0  }
0x19: {  	s21 =	simm.s32 $0x1000;
	s22 =	sadd.s32 $0x0, s5  }
.LBB2_4:
0x1a: {  	[spmem:s22] =	stream.linear.scatter [tilespmem:s10], [sflag:$0x1], $0x400, $0x38;
	[tilespmem:$0x1DC00] =	vst v63  }
0x1b: {  	s22 =	smov.u32 s21;
	p0 =	sne.s32 s21, $0x4E000  }
.Ltmp1:
0x1c: {  	s21 =	sadd.s32 $0x1000, s21;
	(pc) =	sbr.rel @p0 .LBB2_4-.Ltmp1, $3  }
0x1d: {  	_ =	sdelay $0x1  }
0x1e: {  	s22 =	sshra.s32 s22, $0x2  }
0x1f: {  	s22 =	sadd.s32 s22, s5  }
0x20: {  	[spmem:s22] =	stream.linear.scatter [tilespmem:s10], [sflag:$0x1], $0x400, $0x38;
	[tilespmem:$0x1DC00] =	vst v63  }
0x21: {  	_ = 	snop  }
0x22: {  	[tilespmem:s3], [sflag:$0x2] =	stream.linear.gather [hbm4b:s6+s3], $0x2800, $0x38;
	[tilespmem:$0x1DC00] =	vst v63  }
0x23: {  	_ =	swait.ge [sflag:s11], $0x400  }
0x24: {  	s21 =	simm.s32 $0x4E;
	[sflag:s11] =	ssyncset.done $0x0  }
.LBB2_6:
0x25: {  	p0 =	sne.s32 s21, $0x1;
	s21 =	sadd.s32 $0xFFFFFFFF, s21;
	[sflag:s11] =	ssyncadd.s32 $0xFFFFFC00  }
.Ltmp2:
0x26: {  	(pc) =	sbr.rel @p0 .LBB2_6-.Ltmp2, $3  }
0x27: {  	_ =	sdelay $0x1  }
0x28: {  	_ =	swait.ge [sflag:s11], $0x400  }
0x29: {  	[sflag:s11] =	ssyncset.done $0x0  }
0x2a: {  	[sflag:s11] =	ssyncadd.s32 $0xFFFFFC00  }
0x2b: {  	[bflag:$0x0] =	sbarrier.arrive $0xFFFF  }
0x2c: {  	_ =	swait.ge [sflag:s12], $0x2800  }
0x2d: {  	[sflag:s12] =	ssyncset.done $0x0  }
0x2e: {  	s21 =	simm.s32 $0x0;
	[sflag:s12] =	ssyncadd.s32 $0xFFFFD800  }
0x2f: {  	[tilespmem:s13], [sflag:$0x3] =	stream.linear.gather [hbm4b:s7+s21], $0x2800, $0x38;
	[tilespmem:$0x1DC00] =	vst v63  }
0x30: {  	_ =	swait.ge [sflag:s14], $0x2800  }
0x31: {  	[sflag:s14] =	ssyncset.done $0x0  }
0x32: {  	[sflag:s14] =	ssyncadd.s32 $0xFFFFD800  }
0x33: {  	[tilespmem:s10], [sflag:$0x1] =	stream.indirect.gather [hbm4b:s4+s15], $0x80, s21, s15, $0xb8;
	[tilespmem:$0x1DC00] =	vst v63  }
0x34: {  	_ = 	snop  }
0x35: {  	[tilespmem:s16], [sflag:$0x2] =	stream.indirect.gather [hbm4b:s4+s15], $0x80, s15, s15, $0xb8;
	[tilespmem:$0x1DC00] =	vst v63  }
0x36: {  	_ =	swait.ge [sflag:s11], $0x2800  }
0x37: {  	[sflag:s11] =	ssyncset.done $0x0  }
0x38: {  	s29 =	simm.s32 $0x2800;
	[sflag:s11] =	ssyncadd.s32 $0xFFFFD800  }
0x39: {  	[spmem:s2] =	stream.indirect.scatter.add.f32 [tilespmem:s10], [sflag:$0x3], $0x80, s29, s15, $0xb8;
	[tilespmem:$0x1DC00] =	vst v63  }
0x3a: {  	_ =	swait.ge [sflag:s14], $0x2800  }
0x3b: {  	[sflag:s14] =	ssyncset.done $0x0  }
0x3c: {  	s30 =	simm.s32 $0xA0;
	[sflag:s14] =	ssyncadd.s32 $0xFFFFD800  }
0x3d: {  	[tilespmem:s10], [sflag:$0x1] =	stream.indirect.gather [hbm4b:s4+s15], $0x80, s30, s15, $0xb8;
	[tilespmem:$0x1DC00] =	vst v63  }
0x3e: {  	_ =	swait.ge [sflag:s12], $0x2800  }
0x3f: {  	[sflag:s12] =	ssyncset.done $0x0  }
0x40: {  	s31 =	simm.s32 $0x2850;
	[sflag:s12] =	ssyncadd.s32 $0xFFFFD800  }
0x41: {  	[spmem:s2] =	stream.indirect.scatter.add.f32 [tilespmem:s16], [sflag:$0x3], $0x80, s31, s15, $0xb8;
	[tilespmem:$0x1DC00] =	vst v63  }
0x42: {  	_ =	swait.ge [sflag:s14], $0x2800  }
0x43: {  	[sflag:s14] =	ssyncset.done $0x0  }
0x44: {  	s22 =	simm.s32 $0xF0;
	s21 =	simm.s32 $0x280;
	[sflag:s14] =	ssyncadd.s32 $0xFFFFD800  }
.LBB2_8:
0x45: {  	[tilespmem:s16], [sflag:$0x2] =	stream.indirect.gather [hbm4b:s4+s15], $0x80, s22, s15, $0xb8;
	[tilespmem:$0x1DC00] =	vst v63  }
0x46: {  	s22 =	smov.u32 s21  }
0x47: {  	p0 =	sne.s32 s21, $0x9B00;
	s21 =	sadd.s32 $0x280, s21;
	_ =	swait.ge [sflag:s11], $0x2800  }
0x48: {  	s22 =	sshra.s32 s22, $0x2;
	[sflag:s11] =	ssyncset.done $0x0  }
0x49: {  	s23 =	sadd.s32 $0x2800, s22;
	[sflag:s11] =	ssyncadd.s32 $0xFFFFD800  }
0x4a: {  	[spmem:s2] =	stream.indirect.scatter.add.f32 [tilespmem:s10], [sflag:$0x3], $0x80, s23, s15, $0xb8;
	[tilespmem:$0x1DC00] =	vst v63  }
0x4b: {  	_ =	swait.ge [sflag:s14], $0x2800  }
0x4c: {  	[sflag:s14] =	ssyncset.done $0x0  }
0x4d: {  	s23 =	sadd.s32 $0xA0, s22;
	[sflag:s14] =	ssyncadd.s32 $0xFFFFD800  }
0x4e: {  	[tilespmem:s10], [sflag:$0x1] =	stream.indirect.gather [hbm4b:s4+s15], $0x80, s23, s15, $0xb8;
	[tilespmem:$0x1DC00] =	vst v63  }
0x4f: {  	_ =	swait.ge [sflag:s12], $0x2800  }
0x50: {  	[sflag:s12] =	ssyncset.done $0x0  }
.Ltmp3:
0x51: {  	s23 =	sadd.s32 $0x2850, s22;
	[sflag:s12] =	ssyncadd.s32 $0xFFFFD800;
	(pc) =	sbr.rel @p0 .LBB2_8-.Ltmp3, $4  }
0x52: {  	[spmem:s2] =	stream.indirect.scatter.add.f32 [tilespmem:s16], [sflag:$0x3], $0x80, s23, s15, $0xb8;
	[tilespmem:$0x1DC00] =	vst v63  }
0x53: {  	_ =	swait.ge [sflag:s14], $0x2800  }
0x54: {  	[sflag:s14] =	ssyncset.done $0x0  }
0x55: {  	s22 =	sadd.s32 $0xF0, s22;
	[sflag:s14] =	ssyncadd.s32 $0xFFFFD800  }
0x56: {  	[tilespmem:s16], [sflag:$0x2] =	stream.indirect.gather [hbm4b:s4+s15], $0x80, s22, s15, $0xb8;
	[tilespmem:$0x1DC00] =	vst v63  }
0x57: {  	_ =	swait.ge [sflag:s11], $0x2800  }
0x58: {  	[sflag:s11] =	ssyncset.done $0x0  }
0x59: {  	[sflag:s11] =	ssyncadd.s32 $0xFFFFD800  }
0x5a: {  	[spmem:s2] =	stream.indirect.scatter.add.f32 [tilespmem:s10], [sflag:$0x3], $0x80, s17, s15, $0xb8;
	[tilespmem:$0x1DC00] =	vst v63  }
0x5b: {  	_ =	swait.ge [sflag:s14], $0x2800  }
0x5c: {  	[sflag:s14] =	ssyncset.done $0x0  }
0x5d: {  	[sflag:s14] =	ssyncadd.s32 $0xFFFFD800  }
0x5e: {  	_ =	swait.ge [sflag:s12], $0x2800  }
0x5f: {  	[sflag:s12] =	ssyncset.done $0x0  }
0x60: {  	[sflag:s12] =	ssyncadd.s32 $0xFFFFD800  }
0x61: {  	[spmem:s2] =	stream.indirect.scatter.add.f32 [tilespmem:s16], [sflag:$0x3], $0x80, s18, s15, $0xb8;
	[tilespmem:$0x1DC00] =	vst v63  }
0x62: {  	_ =	swait.ge [sflag:s14], $0x2800  }
0x63: {  	s20 =	sadd.s32 $0x1, s20;
	[sflag:s14] =	ssyncset.done $0x0  }
0x64: {  	s21 =	sshll.u32 s1, $0x6;
	p0 =	sne.s32 s20, s9;
	[sflag:s14] =	ssyncadd.s32 $0xFFFFD800  }
.Ltmp4:
0x65: {  	s21 =	sor.u32 $0x1C03, s21;
	[bflag:$0x0] =	sbarrier.arrive $0xFFFF;
	(pc) =	sbr.rel @p0 .LBB2_1-.Ltmp4, $4  }
0x66: {  	[hbm:s8], [sflag:s21] =	dma.local [spmem:s19], $0x2780  }
0x67: {  	_ =	swait.ge [sflag:s14], $0x2780  }
0x68: {  	[sflag:s14] =	ssyncset.done $0x0  }
0x69: {  	[sflag:s14] =	ssyncadd.s32 $0xFFFFD880  }
0x6a: {  	_ =	sfence.sel $0x180000  }
0x6b: {  	[bflag:$0x0] =	sbarrier.arrive $0xFFFF  }
0x6c: {  	p0 =	sne.s32 s1, $0x0;
	_ =	strace $0x9000004D  }
0x6d: {  	s0 =	sadd.s32 @!p0 $0x100000, s0;
	[bflag:$0x2] =	sbarrier.arrive $0xFFFF  }
0x6e: {  	[sflag:s0] =	ssyncadd.tile.s32 @!p0 $0x1;
	_ =	shalt  }
.Lfunc_end2:
_tile_overlayer_lowered:
.L_overlay_start_2:
0x6f: {  	(tag) =	ssettag $0x2  }
0x70: {  	s0 =	rddreg [dreg:$0x0];
	s2 =	stileid.u32  }
0x71: {  	s1 =	rddreg [dreg:$0x1];
	p0 =	sne.s32 s2, $0x0  }
0x72: {  	s3 =	rddreg [dreg:$0x2];
	[bflag:$0x3] =	sbarrier.arrive $0xFFFF;
	s2 =	simm.s32 @!p0 $0x1C03  }
0x73: {  	[timem:s3], [sflag:s2] =	dma.local @!p0 [hbm:s0], s1  }
0x74: {  	s0 =	simm.s32 @!p0 $0x3  }
0x75: {  	_ =	swait.ge @!p0 [sflag:s0], s1  }
0x76: {  	s1 =	ssub.s32 @!p0 $0x0, s1;
	[sflag:s0] =	ssyncset.done @!p0 $0x0  }
0x77: {  	[sflag:s0] =	ssyncadd.s32 @!p0 s1  }
0x78: {  	[bflag:$0x3] =	sbarrier.arrive $0xFFFF  }
0x79: {  	_ =	shalt  }

// kernel: kernel.18.cloned.1.call-start
scs
__scs_entry_jumppad:
0x0: {  	(pc) =	sbr.rel $0x88, $3  }
0x1: {  	(tag) =	ssettag $0x0;
	lr =	simm.s32 $0x1  }
0x2: {  	[smem:$0x3F9B] =	sst lr;
	_ =	strace $0xD0000000  }
0x3: {  	_ = 	snop  }
0x4: {  	_ = 	snop  }
0x5: {  	_ = 	snop  }
0x6: {  	_ = 	snop  }
0x7: {  	_ = 	snop  }
__scs_overlays_trampoline_lowered:
0x8: {  	[smem:$0x3FAA] =	sst s0  }
0x9: {  	[smem:$0x3FAB] =	sst s1  }
0xa: {  	[smem:$0x3FAC] =	sst s2  }
0xb: {  	[smem:$0x3FAD] =	sst s3  }
0xc: {  	[smem:$0x3FAE] =	sst s4  }
0xd: {  	[smem:$0x3FAF] =	sst s5  }
0xe: {  	[smem:$0x3FB0] =	sst s6  }
0xf: {  	[smem:$0x3FB1] =	sst s7  }
0x10: {  	[smem:$0x3FB2] =	sst s8  }
0x11: {  	[smem:$0x3FB3] =	sst s9;
	s0 =	simm.s32 @!p0 $0x0  }
0x12: {  	s1 =	sld [smem:$0x3F99];
	s0 =	simm.s32 @p0 $0x1  }
0x13: {  	[smem:$0x3FB4] =	sst s0;
	s0 =	simm.s32 @!p1 $0x0  }
0x14: {  	s2 =	sld [smem:$0x3F98];
	s0 =	simm.s32 @p1 $0x1  }
0x15: {  	[smem:$0x3FB5] =	sst s0;
	s0 =	simm.s32 @!p2 $0x0  }
0x16: {  	s3 =	sld [smem:$0x3FDB];
	s0 =	simm.s32 @p2 $0x1  }
0x17: {  	s4 =	simm.s32 $0x1BF5;
	[smem:$0x3FB7] =	sst s0  }
0x18: {  	s0 =	sld [smem:$0x3F9A];
	_ =	swait.ge [sflag:s4], $0x0  }
0x19: {  	s7 =	sld [smem:$0x3F9B]  }
0x1a: {  	s8 =	sadd.s32 $0xFFFFE003, lr  }
0x1b: {  	s9 =	sadd.s32 $0xFFFFFEF7, lr;
	s5 =	simm.s32 $0xFFFFFFFF;
	p2 =	slt.u32 s8, $0xFFFFF086  }
0x1c: {  	p1 =	slt.u32 s9, $0xF7A;
	s5 =	simm.s32 @!p2 $0x0  }
0x1d: {  	s5 =	simm.s32 @p1 $0x1;
	p0 =	seq.s32 s7, s2  }
0x1e: {  	s7 =	smul.u32 @!p0 $0xF7A, s2;
	p2 =	seq.s32 @!p0 s5, $0x0  }
0x1f: {  	s9 =	smul.u32 $0xF7A, s1;
	s8 =	simm.s32 @!p0 $0x1BF5;
	p2 =	por !p2, p0  }
0x20: {  	[sflag:s8] =	ssyncset.s32 @!p0 $0xFFFFF086;
	s6 =	sadd.s32 @!p0 s3, s7;
	s7 =	simm.s32 @!p0 $0x108  }
0x21: {  	s3 =	sadd.s32 s3, s9;
	s6 =	sadd.s32 @!p0 $0x88, s6;
	s7 =	simm.s32 @p2 $0x1082  }
0x22: {  	[simem:s7], [sflag:s8] =	dma.local @!p0 [hbm:s6], $0xF7A  }
0x23: {  	s9 =	sor.u32 $0xD0000000, s2;
	s6 =	simm.s32 $0x108;
	_ =	swait.ge @!p0 [sflag:s8], $0x0  }
0x24: {  	s3 =	sadd.s32 $0x88, s3;
	s6 =	simm.s32 @!p1 $0x1082;
	[sflag:s4] =	ssyncset.s32 $0xFFFFF086  }
0x25: {  	[simem:s6], [sflag:s4] =	dma.local [hbm:s3], $0xF7A  }
0x26: {  	[smem:$0x3F9B] =	sst s1;
	(tag) =	ssettag s2;
	_ =	strace s9  }
0x27: {  	s1 =	sld [smem:$0x3FAB]  }
0x28: {  	s2 =	sld [smem:$0x3FAC]  }
0x29: {  	s4 =	sld [smem:$0x3FAE]  }
0x2a: {  	p0 =	seq.s32 s5, $0x0;
	s5 =	sld [smem:$0x3FAF]  }
0x2b: {  	s6 =	sld [smem:$0x3FB0]  }
0x2c: {  	s7 =	sld [smem:$0x3FB1]  }
0x2d: {  	s3 =	simm.s32 $0x108;
	s8 =	sld [smem:$0x3FB2]  }
0x2e: {  	s3 =	simm.s32 @!p0 $0x1082;
	s9 =	sld [smem:$0x3FB3]  }
0x2f: {  	lr =	sadd.s32 s0, s3;
	s0 =	sld [smem:$0x3FAA]  }
0x30: {  	s3 =	sld [smem:$0x3FAD]  }
0x31: {  	[smem:$0x3FB6] =	sst s10  }
0x32: {  	s10 =	sld [smem:$0x3FB4];
	_ =	sdelay $0x3  }
0x33: {  	p0 =	seq.s32 s10, $0x1;
	s10 =	sld [smem:$0x3FB6];
	_ =	sdelay $0x3  }
0x34: {  	[smem:$0x3FB6] =	sst s10  }
0x35: {  	s10 =	sld [smem:$0x3FB5];
	_ =	sdelay $0x3  }
0x36: {  	p1 =	seq.s32 s10, $0x1;
	s10 =	sld [smem:$0x3FB6];
	_ =	sdelay $0x3  }
0x37: {  	[smem:$0x3FB6] =	sst s10  }
0x38: {  	s10 =	sld [smem:$0x3FB7]  }
0x39: {  	_ = 	snop;
	(pc) =	sbr.ind lr, $3  }
0x3a: {  	_ = 	snop  }
0x3b: {  	_ = 	snop  }
0x3c: {  	p2 =	seq.s32 s10, $0x1;
	s10 =	sld [smem:$0x3FB6]  }
0x3d: {  	_ =	shalt  }
0x3e: {  	_ =	shalt  }
0x3f: {  	_ =	shalt  }
0x40: {  	_ =	shalt  }
0x41: {  	_ =	shalt  }
0x42: {  	_ =	shalt  }
0x43: {  	_ =	shalt  }
0x44: {  	_ =	shalt  }
0x45: {  	_ =	shalt  }
0x46: {  	_ =	shalt  }
0x47: {  	_ =	shalt  }
0x48: {  	_ =	shalt  }
0x49: {  	_ =	shalt  }
0x4a: {  	_ =	shalt  }
0x4b: {  	_ =	shalt  }
0x4c: {  	_ =	shalt  }
0x4d: {  	_ =	shalt  }
0x4e: {  	_ =	shalt  }
0x4f: {  	_ =	shalt  }
0x50: {  	_ =	shalt  }
0x51: {  	_ =	shalt  }
0x52: {  	_ =	shalt  }
0x53: {  	_ =	shalt  }
0x54: {  	_ =	shalt  }
0x55: {  	_ =	shalt  }
0x56: {  	_ =	shalt  }
0x57: {  	_ =	shalt  }
0x58: {  	_ =	shalt  }
0x59: {  	_ =	shalt  }
0x5a: {  	_ =	shalt  }
0x5b: {  	_ =	shalt  }
0x5c: {  	_ =	shalt  }
0x5d: {  	_ =	shalt  }
0x5e: {  	_ =	shalt  }
0x5f: {  	_ =	shalt  }
0x60: {  	_ =	shalt  }
0x61: {  	_ =	shalt  }
0x62: {  	_ =	shalt  }
0x63: {  	_ =	shalt  }
0x64: {  	_ =	shalt  }
0x65: {  	_ =	shalt  }
0x66: {  	_ =	shalt  }
0x67: {  	_ =	shalt  }
0x68: {  	_ =	shalt  }
0x69: {  	_ =	shalt  }
0x6a: {  	_ =	shalt  }
0x6b: {  	_ =	shalt  }
0x6c: {  	_ =	shalt  }
0x6d: {  	_ =	shalt  }
0x6e: {  	_ =	shalt  }
0x6f: {  	_ =	shalt  }
0x70: {  	_ =	shalt  }
0x71: {  	_ =	shalt  }
0x72: {  	_ =	shalt  }
0x73: {  	_ =	shalt  }
0x74: {  	_ =	shalt  }
0x75: {  	_ =	shalt  }
0x76: {  	_ =	shalt  }
0x77: {  	_ =	shalt  }
0x78: {  	_ =	shalt  }
0x79: {  	_ =	shalt  }
0x7a: {  	_ =	shalt  }
0x7b: {  	_ =	shalt  }
0x7c: {  	_ =	shalt  }
0x7d: {  	_ =	shalt  }
0x7e: {  	_ =	shalt  }
0x7f: {  	_ =	shalt  }
0x80: {  	_ =	shalt  }
0x81: {  	_ =	shalt  }
0x82: {  	_ =	shalt  }
0x83: {  	_ =	shalt  }
0x84: {  	_ =	shalt  }
0x85: {  	_ =	shalt  }
0x86: {  	_ =	shalt  }
0x87: {  	_ =	shalt  }
.Lfunc_end0:
.L_simem_size_0:
called_computation.3_lowered:
.L_overlay_start_0:
0x88: {  	s2 =	sld [smem:$0x3FD9]  }
0x89: {  	s3 =	sld [smem:$0x3FFE];
	_ =	sdelay $0x1  }
0x8a: {  	s1 =	srdreg.scid  }
0x8b: {  	s0 =	sand.u32 $0x1, s1  }
0x8c: {  	s17 =	sshll.u32 s0, $0xA;
	s2 =	sadd.s32 s3, s2  }
0x8d: {  	s2 =	sadd.s32 s2, s17  }
0x8e: {  	[smem:$0x3FC2] =	sst s2  }
0x8f: {  	_ = 	snop  }
0x90: {  	s2 =	sld [smem:$0x3FD0];
	(tm) =	ssettm $0x1  }
0x91: {  	s18 =	sld [smem:$0x3FFB];
	_ =	sdelay $0x3  }
0x92: {  	_ =	strace s18  }
0x93: {  	s3 =	sld [smem:$0x3FFC];
	_ =	sdelay $0x3  }
0x94: {  	_ =	strace s3  }
0x95: {  	s3 =	sld [smem:$0x3FFD];
	_ =	sdelay $0x3  }
0x96: {  	_ =	strace s3  }
0x97: {  	_ =	strace $0x8FFFFFFF  }
0x98: {  	s19 =	sld [smem:$0x3FDB];
	_ =	sdelay $0x1  }
0x99: {  	s4 =	simm.s32 $_scs_section_size  }
0x9a: {  	s5 =	simm.s32 $_size__tile_overlayer_lowered;
	s6 =	simm.s32 $_tile_overlayer_lowered  }
0x9b: {  	s22 =	simm.s32 $0x1BFF;
	s21 =	sshll.u32 s6, $0x1;
	s3 =	sadd.s32 s4, s19  }
0x9c: {  	s7 =	simm.s32 $0x0;
	s20 =	sshll.u32 s5, $0x1;
	s5 =	sadd.s32 s21, s3  }
0x9d: {  	[timem:s7], [sflag:s22] =	dma.local [hbm:s5], s20  }
0x9e: {  	_ =	swait.ge [sflag:s22], s20  }
0x9f: {  	s4 =	ssub.s32 $0x0, s20;
	[sflag:s22] =	ssyncset.done $0x0  }
0xa0: {  	[sflag:s22] =	ssyncadd.s32 s4;
	_ =	sdelay $0x1  }
0xa1: {  	s23 =	simm.s32 $0x1B8B  }
0xa2: {  	_ =	swait.ge [sflag:s23], $0x1  }
0xa3: {  	[sflag:s23] =	ssyncset.done $0x0  }
0xa4: {  	s25 =	simm.s32 $0x1B8E;
	s24 =	sld [smem:$0x3FFE];
	[sflag:s23] =	ssyncadd.s32 $0xFFFFFFFF  }
0xa5: {  	s26 =	simm.s32 $execute0_lowered;
	[smem:$0x3FD2] =	sst s25  }
0xa6: {  	s5 =	sshll.u32 s26, $0x1;
	_ =	strace $0x8000004F;
	[dreg:$0x1] =	wrdreg $0xFFFFFFFF  }
0xa7: {  	s28 =	simm.s32 $_size_execute0_lowered;
	s3 =	sadd.s32 s3, s5;
	[dreg:$0x0] =	wrdreg $0x0  }
0xa8: {  	s5 =	sshll.u32 s28, $0x1;
	[dreg:$0x2] =	wrdreg s3  }
0xa9: {  	[dreg:$0x3] =	wrdreg s5  }
0xaa: {  	[dreg:$0x4] =	wrdreg $0xC0  }
0xab: {  	_ =	task [dreg:s7], $0x5FFFF  }
0xac: {  	[dreg:$0x1] =	wrdreg $0xFFFFFFFF  }
0xad: {  	[dreg:$0x0] =	wrdreg $0x60  }
0xae: {  	[dreg:$0x2] =	wrdreg s24  }
0xaf: {  	[dreg:$0x3] =	wrdreg s2  }
0xb0: {  	[dreg:$0x4] =	wrdreg $0x50000  }
0xb1: {  	[dreg:$0x5] =	wrdreg $0x9  }
0xb2: {  	_ =	task.clear_ibuf [dreg:s7], $0x6FFFF;
	_ =	strace $0x9000004F  }
0xb3: {  	s29 =	simm.s32 $0x9;
	_ =	strace $0x80000051  }
0xb4: {  	_ =	swait.ge [sflag:s29], $0x1  }
0xb5: {  	[sflag:s29] =	ssyncadd.s32 $0xFFFFFFFF  }
0xb6: {  	_ =	strace $0x90000051  }
0xb7: {  	_ =	sfence  }
0xb8: {  	s30 =	sld [smem:$0x0];
	_ =	sdelay $0x2  }
0xb9: {  	s31 =	sshll.u32 s1, $0xD;
	s1 =	sshrl.u32 s1, $0x2  }
0xba: {  	s3 =	sand.u32 $0x4000, s31;
	s1 =	sadd.s32 s1, s30  }
0xbb: {  	s0 =	sor.u32 s3, s0;
	s1 =	sshll.u32 s1, $0x11  }
0xbc: {  	s0 =	sor.u32 s1, s0  }
0xbd: {  	s0 =	sadd.s32 $0x8F2B, s0  }
0xbe: {  	[sflag:s0] =	ssyncadd.remote.s32 $0x1  }
0xbf: {  	_ =	sfence.sel $0xFFFF  }
0xc0: {  	[dreg:$0x0] =	wrdreg $0xFFFFFFFF;
	(pc) =	sbr.abs _section_cstart, $3  }
0xc1: {  	[dreg:$0x1] =	wrdreg $0xFFFFFFFF  }
0xc2: {  	_ =	task.clear_ibuf [dreg:s7], $0x2FFFF;
	_ =	strace $0x9FFFFFFF  }
0xc3: {  	(tm) =	ssettm $0x7FFFFFFF  }
tec
execute0_lowered:
.L_overlay_start_1:
0x0: {  	(tag) =	ssettag $0x1  }
0x1: {  	s5 =	rddreg [dreg:$0x0]  }
0x2: {  	s7 =	rddreg [dreg:$0x1]  }
0x3: {  	s2 =	rddreg [dreg:$0x2]  }
0x4: {  	s0 =	rddreg [dreg:$0x3]  }
0x5: {  	s4 =	srdreg.scid;
	s3 =	simm.s32 $0x0;
	s1 =	stileid.u32  }
0x6: {  	s14 =	simm.s32 $0x3;
	s15 =	simm.s32 $0x50;
	s16 =	simm.s32 $0x1B400  }
0x7: {  	s17 =	simm.s32 $0x4F60;
	s18 =	simm.s32 $0x4FB0;
	s20 =	simm.s32 $0x0  }
0x8: {  	s6 =	sand.u32 $0x1, s4;
	s30 =	sshll.u32 s1, $0x7;
	s10 =	smul.u32 $0x13C00, s1  }
0x9: {  	[smem:$0x7FF] =	sst s3;
	s11 =	smul.u32 $0x4F000, s1;
	s8 =	sshll.u32 s6, $0xB  }
0xa: {  	s9 =	smul.u32 $0x13C000, s6;
	_ =	strace $0x80000050;
	s6 =	ssub.s32 $0x2, s6  }
0xb: {  	s4 =	sor.u32 s8, s30;
	s31 =	sshrl.u32 s6, $0x1;
	s11 =	sshrl.u32 s11, $0x2  }
0xc: {  	s19 =	sadd.s32 s10, s2;
	s8 =	smul.u32 $0xA, s4;
	s4 =	sadd.s32 $0x16400, s5  }
0xd: {  	s9 =	sadd.s32 s10, s9;
	s13 =	ssub.s32 s6, s31;
	s10 =	simm.s32 $0x18C00  }
0xe: {  	s19 =	sshrl.u32 s19, $0x3;
	s9 =	sshrl.u32 s9, $0x3;
	s12 =	sadd.s32 s8, s5  }
0xf: {  	s9 =	sadd.s32 s9, s5;
	s5 =	sadd.s32 s11, s2;
	s7 =	sadd.s32 s7, s8  }
0x10: {  	s11 =	simm.s32 $0x1;
	s6 =	sadd.s32 $0xC400, s12;
	s8 =	sadd.s32 $0x3DC00, s9  }
0x11: {  	v0 =	vimm.f32 $0.0e+00;
	s9 =	smax.u32 s13, $0x1;
	s12 =	simm.s32 $0x2;
	s13 =	simm.s32 $0x2800  }
.LBB2_1:
0x12: {  	s21 =	simm.s32 $0x0;
	s22 =	simm.s32 $0x0  }
.LBB2_2:
0x13: {  	p0 =	sne.s32 s22, $0xFC0  }
.Ltmp0:
0x14: {  	_ = 	snop;
	(pc) =	sbr.rel @p0 .LBB2_2-.Ltmp0, $4  }
0x15: {  	s23 =	sand.u32 $0xE00, s22  }
0x16: {  	s24 =	sand.u32 $0x70, s21;
	s23 =	sshrl.u32 s23, $0x2  }
0x17: {  	s23 =	sor.u32 s24, s23  }
0x18: {  	s21 =	sadd.s32 $0x10, s21;
	s22 =	sadd.s32 $0x40, s22;
	[tilespmem:s23+$0x18C00] =	vst v0  }
0x19: {  	s21 =	simm.s32 $0x1000;
	s22 =	sadd.s32 $0x0, s5  }
.LBB2_4:
0x1a: {  	[spmem:s22] =	stream.linear.scatter [tilespmem:s10], [sflag:$0x1], $0x400, $0x38;
	[tilespmem:$0x1DC00] =	vst v63  }
0x1b: {  	s22 =	smov.u32 s21;
	p0 =	sne.s32 s21, $0x4E000  }
.Ltmp1:
0x1c: {  	s21 =	sadd.s32 $0x1000, s21;
	(pc) =	sbr.rel @p0 .LBB2_4-.Ltmp1, $3  }
0x1d: {  	_ =	sdelay $0x1  }
0x1e: {  	s22 =	sshra.s32 s22, $0x2  }
0x1f: {  	s22 =	sadd.s32 s22, s5  }
0x20: {  	[spmem:s22] =	stream.linear.scatter [tilespmem:s10], [sflag:$0x1], $0x400, $0x38;
	[tilespmem:$0x1DC00] =	vst v63  }
0x21: {  	_ = 	snop  }
0x22: {  	[tilespmem:s3], [sflag:$0x2] =	stream.linear.gather [hbm4b:s6+s3], $0x2800, $0x38;
	[tilespmem:$0x1DC00] =	vst v63  }
0x23: {  	_ =	swait.ge [sflag:s11], $0x400  }
0x24: {  	s21 =	simm.s32 $0x4E;
	[sflag:s11] =	ssyncset.done $0x0  }
.LBB2_6:
0x25: {  	p0 =	sne.s32 s21, $0x1;
	s21 =	sadd.s32 $0xFFFFFFFF, s21;
	[sflag:s11] =	ssyncadd.s32 $0xFFFFFC00  }
.Ltmp2:
0x26: {  	(pc) =	sbr.rel @p0 .LBB2_6-.Ltmp2, $3  }
0x27: {  	_ =	sdelay $0x1  }
0x28: {  	_ =	swait.ge [sflag:s11], $0x400  }
0x29: {  	[sflag:s11] =	ssyncset.done $0x0  }
0x2a: {  	[sflag:s11] =	ssyncadd.s32 $0xFFFFFC00  }
0x2b: {  	[bflag:$0x0] =	sbarrier.arrive $0xFFFF  }
0x2c: {  	_ =	swait.ge [sflag:s12], $0x2800  }
0x2d: {  	[sflag:s12] =	ssyncset.done $0x0  }
0x2e: {  	s21 =	simm.s32 $0x0;
	[sflag:s12] =	ssyncadd.s32 $0xFFFFD800  }
0x2f: {  	[tilespmem:s13], [sflag:$0x3] =	stream.linear.gather [hbm4b:s7+s21], $0x2800, $0x38;
	[tilespmem:$0x1DC00] =	vst v63  }
0x30: {  	_ =	swait.ge [sflag:s14], $0x2800  }
0x31: {  	[sflag:s14] =	ssyncset.done $0x0  }
0x32: {  	[sflag:s14] =	ssyncadd.s32 $0xFFFFD800  }
0x33: {  	[tilespmem:s10], [sflag:$0x1] =	stream.indirect.gather [hbm4b:s4+s15], $0x80, s21, s15, $0xb8;
	[tilespmem:$0x1DC00] =	vst v63  }
0x34: {  	_ = 	snop  }
0x35: {  	[tilespmem:s16], [sflag:$0x2] =	stream.indirect.gather [hbm4b:s4+s15], $0x80, s15, s15, $0xb8;
	[tilespmem:$0x1DC00] =	vst v63  }
0x36: {  	_ =	swait.ge [sflag:s11], $0x2800  }
0x37: {  	[sflag:s11] =	ssyncset.done $0x0  }
0x38: {  	s29 =	simm.s32 $0x2800;
	[sflag:s11] =	ssyncadd.s32 $0xFFFFD800  }
0x39: {  	[spmem:s2] =	stream.indirect.scatter.add.f32 [tilespmem:s10], [sflag:$0x3], $0x80, s29, s15, $0xb8;
	[tilespmem:$0x1DC00] =	vst v63  }
0x3a: {  	_ =	swait.ge [sflag:s14], $0x2800  }
0x3b: {  	[sflag:s14] =	ssyncset.done $0x0  }
0x3c: {  	s30 =	simm.s32 $0xA0;
	[sflag:s14] =	ssyncadd.s32 $0xFFFFD800  }
0x3d: {  	[tilespmem:s10], [sflag:$0x1] =	stream.indirect.gather [hbm4b:s4+s15], $0x80, s30, s15, $0xb8;
	[tilespmem:$0x1DC00] =	vst v63  }
0x3e: {  	_ =	swait.ge [sflag:s12], $0x2800  }
0x3f: {  	[sflag:s12] =	ssyncset.done $0x0  }
0x40: {  	s31 =	simm.s32 $0x2850;
	[sflag:s12] =	ssyncadd.s32 $0xFFFFD800  }
0x41: {  	[spmem:s2] =	stream.indirect.scatter.add.f32 [tilespmem:s16], [sflag:$0x3], $0x80, s31, s15, $0xb8;
	[tilespmem:$0x1DC00] =	vst v63  }
0x42: {  	_ =	swait.ge [sflag:s14], $0x2800  }
0x43: {  	[sflag:s14] =	ssyncset.done $0x0  }
0x44: {  	s22 =	simm.s32 $0xF0;
	s21 =	simm.s32 $0x280;
	[sflag:s14] =	ssyncadd.s32 $0xFFFFD800  }
.LBB2_8:
0x45: {  	[tilespmem:s16], [sflag:$0x2] =	stream.indirect.gather [hbm4b:s4+s15], $0x80, s22, s15, $0xb8;
	[tilespmem:$0x1DC00] =	vst v63  }
0x46: {  	s22 =	smov.u32 s21  }
0x47: {  	p0 =	sne.s32 s21, $0x9B00;
	s21 =	sadd.s32 $0x280, s21;
	_ =	swait.ge [sflag:s11], $0x2800  }
0x48: {  	s22 =	sshra.s32 s22, $0x2;
	[sflag:s11] =	ssyncset.done $0x0  }
0x49: {  	s23 =	sadd.s32 $0x2800, s22;
	[sflag:s11] =	ssyncadd.s32 $0xFFFFD800  }
0x4a: {  	[spmem:s2] =	stream.indirect.scatter.add.f32 [tilespmem:s10], [sflag:$0x3], $0x80, s23, s15, $0xb8;
	[tilespmem:$0x1DC00] =	vst v63  }
0x4b: {  	_ =	swait.ge [sflag:s14], $0x2800  }
0x4c: {  	[sflag:s14] =	ssyncset.done $0x0  }
0x4d: {  	s23 =	sadd.s32 $0xA0, s22;
	[sflag:s14] =	ssyncadd.s32 $0xFFFFD800  }
0x4e: {  	[tilespmem:s10], [sflag:$0x1] =	stream.indirect.gather [hbm4b:s4+s15], $0x80, s23, s15, $0xb8;
	[tilespmem:$0x1DC00] =	vst v63  }
0x4f: {  	_ =	swait.ge [sflag:s12], $0x2800  }
0x50: {  	[sflag:s12] =	ssyncset.done $0x0  }
.Ltmp3:
0x51: {  	s23 =	sadd.s32 $0x2850, s22;
	[sflag:s12] =	ssyncadd.s32 $0xFFFFD800;
	(pc) =	sbr.rel @p0 .LBB2_8-.Ltmp3, $4  }
0x52: {  	[spmem:s2] =	stream.indirect.scatter.add.f32 [tilespmem:s16], [sflag:$0x3], $0x80, s23, s15, $0xb8;
	[tilespmem:$0x1DC00] =	vst v63  }
0x53: {  	_ =	swait.ge [sflag:s14], $0x2800  }
0x54: {  	[sflag:s14] =	ssyncset.done $0x0  }
0x55: {  	s22 =	sadd.s32 $0xF0, s22;
	[sflag:s14] =	ssyncadd.s32 $0xFFFFD800  }
0x56: {  	[tilespmem:s16], [sflag:$0x2] =	stream.indirect.gather [hbm4b:s4+s15], $0x80, s22, s15, $0xb8;
	[tilespmem:$0x1DC00] =	vst v63  }
0x57: {  	_ =	swait.ge [sflag:s11], $0x2800  }
0x58: {  	[sflag:s11] =	ssyncset.done $0x0  }
0x59: {  	[sflag:s11] =	ssyncadd.s32 $0xFFFFD800  }
0x5a: {  	[spmem:s2] =	stream.indirect.scatter.add.f32 [tilespmem:s10], [sflag:$0x3], $0x80, s17, s15, $0xb8;
	[tilespmem:$0x1DC00] =	vst v63  }
0x5b: {  	_ =	swait.ge [sflag:s14], $0x2800  }
0x5c: {  	[sflag:s14] =	ssyncset.done $0x0  }
0x5d: {  	[sflag:s14] =	ssyncadd.s32 $0xFFFFD800  }
0x5e: {  	_ =	swait.ge [sflag:s12], $0x2800  }
0x5f: {  	[sflag:s12] =	ssyncset.done $0x0  }
0x60: {  	[sflag:s12] =	ssyncadd.s32 $0xFFFFD800  }
0x61: {  	[spmem:s2] =	stream.indirect.scatter.add.f32 [tilespmem:s16], [sflag:$0x3], $0x80, s18, s15, $0xb8;
	[tilespmem:$0x1DC00] =	vst v63  }
0x62: {  	_ =	swait.ge [sflag:s14], $0x2800  }
0x63: {  	s20 =	sadd.s32 $0x1, s20;
	[sflag:s14] =	ssyncset.done $0x0  }
0x64: {  	s21 =	sshll.u32 s1, $0x6;
	p0 =	sne.s32 s20, s9;
	[sflag:s14] =	ssyncadd.s32 $0xFFFFD800  }
.Ltmp4:
0x65: {  	s21 =	sor.u32 $0x1C03, s21;
	[bflag:$0x0] =	sbarrier.arrive $0xFFFF;
	(pc) =	sbr.rel @p0 .LBB2_1-.Ltmp4, $4  }
0x66: {  	[hbm:s8], [sflag:s21] =	dma.local [spmem:s19], $0x2780  }
0x67: {  	_ =	swait.ge [sflag:s14], $0x2780  }
0x68: {  	[sflag:s14] =	ssyncset.done $0x0  }
0x69: {  	[sflag:s14] =	ssyncadd.s32 $0xFFFFD880  }
0x6a: {  	_ =	sfence.sel $0x180000  }
0x6b: {  	[bflag:$0x0] =	sbarrier.arrive $0xFFFF  }
0x6c: {  	p0 =	sne.s32 s1, $0x0;
	_ =	strace $0x90000050  }
0x6d: {  	s0 =	sadd.s32 @!p0 $0x100000, s0;
	[bflag:$0x2] =	sbarrier.arrive $0xFFFF  }
0x6e: {  	[sflag:s0] =	ssyncadd.tile.s32 @!p0 $0x1;
	_ =	shalt  }
.Lfunc_end2:
_tile_overlayer_lowered:
.L_overlay_start_2:
0x6f: {  	(tag) =	ssettag $0x2  }
0x70: {  	s0 =	rddreg [dreg:$0x0];
	s2 =	stileid.u32  }
0x71: {  	s1 =	rddreg [dreg:$0x1];
	p0 =	sne.s32 s2, $0x0  }
0x72: {  	s3 =	rddreg [dreg:$0x2];
	[bflag:$0x3] =	sbarrier.arrive $0xFFFF;
	s2 =	simm.s32 @!p0 $0x1C03  }
0x73: {  	[timem:s3], [sflag:s2] =	dma.local @!p0 [hbm:s0], s1  }
0x74: {  	s0 =	simm.s32 @!p0 $0x3  }
0x75: {  	_ =	swait.ge @!p0 [sflag:s0], s1  }
0x76: {  	s1 =	ssub.s32 @!p0 $0x0, s1;
	[sflag:s0] =	ssyncset.done @!p0 $0x0  }
0x77: {  	[sflag:s0] =	ssyncadd.s32 @!p0 s1  }
0x78: {  	[bflag:$0x3] =	sbarrier.arrive $0xFFFF  }
0x79: {  	_ =	shalt  }

// kernel: kernel.9.cloned.1.call-start
scs
__scs_entry_jumppad:
0x0: {  	(pc) =	sbr.rel $0x88, $3  }
0x1: {  	(tag) =	ssettag $0x0;
	lr =	simm.s32 $0x1  }
0x2: {  	[smem:$0x3F9B] =	sst lr;
	_ =	strace $0xD0000000  }
0x3: {  	_ = 	snop  }
0x4: {  	_ = 	snop  }
0x5: {  	_ = 	snop  }
0x6: {  	_ = 	snop  }
0x7: {  	_ = 	snop  }
__scs_overlays_trampoline_lowered:
0x8: {  	[smem:$0x3FAA] =	sst s0  }
0x9: {  	[smem:$0x3FAB] =	sst s1  }
0xa: {  	[smem:$0x3FAC] =	sst s2  }
0xb: {  	[smem:$0x3FAD] =	sst s3  }
0xc: {  	[smem:$0x3FAE] =	sst s4  }
0xd: {  	[smem:$0x3FAF] =	sst s5  }
0xe: {  	[smem:$0x3FB0] =	sst s6  }
0xf: {  	[smem:$0x3FB1] =	sst s7  }
0x10: {  	[smem:$0x3FB2] =	sst s8  }
0x11: {  	[smem:$0x3FB3] =	sst s9;
	s0 =	simm.s32 @!p0 $0x0  }
0x12: {  	s1 =	sld [smem:$0x3F99];
	s0 =	simm.s32 @p0 $0x1  }
0x13: {  	[smem:$0x3FB4] =	sst s0;
	s0 =	simm.s32 @!p1 $0x0  }
0x14: {  	s2 =	sld [smem:$0x3F98];
	s0 =	simm.s32 @p1 $0x1  }
0x15: {  	[smem:$0x3FB5] =	sst s0;
	s0 =	simm.s32 @!p2 $0x0  }
0x16: {  	s3 =	sld [smem:$0x3FDB];
	s0 =	simm.s32 @p2 $0x1  }
0x17: {  	s4 =	simm.s32 $0x1BF5;
	[smem:$0x3FB7] =	sst s0  }
0x18: {  	s0 =	sld [smem:$0x3F9A];
	_ =	swait.ge [sflag:s4], $0x0  }
0x19: {  	s7 =	sld [smem:$0x3F9B]  }
0x1a: {  	s8 =	sadd.s32 $0xFFFFE003, lr  }
0x1b: {  	s9 =	sadd.s32 $0xFFFFFEF7, lr;
	s5 =	simm.s32 $0xFFFFFFFF;
	p2 =	slt.u32 s8, $0xFFFFF086  }
0x1c: {  	p1 =	slt.u32 s9, $0xF7A;
	s5 =	simm.s32 @!p2 $0x0  }
0x1d: {  	s5 =	simm.s32 @p1 $0x1;
	p0 =	seq.s32 s7, s2  }
0x1e: {  	s7 =	smul.u32 @!p0 $0xF7A, s2;
	p2 =	seq.s32 @!p0 s5, $0x0  }
0x1f: {  	s9 =	smul.u32 $0xF7A, s1;
	s8 =	simm.s32 @!p0 $0x1BF5;
	p2 =	por !p2, p0  }
0x20: {  	[sflag:s8] =	ssyncset.s32 @!p0 $0xFFFFF086;
	s6 =	sadd.s32 @!p0 s3, s7;
	s7 =	simm.s32 @!p0 $0x108  }
0x21: {  	s3 =	sadd.s32 s3, s9;
	s6 =	sadd.s32 @!p0 $0x88, s6;
	s7 =	simm.s32 @p2 $0x1082  }
0x22: {  	[simem:s7], [sflag:s8] =	dma.local @!p0 [hbm:s6], $0xF7A  }
0x23: {  	s9 =	sor.u32 $0xD0000000, s2;
	s6 =	simm.s32 $0x108;
	_ =	swait.ge @!p0 [sflag:s8], $0x0  }
0x24: {  	s3 =	sadd.s32 $0x88, s3;
	s6 =	simm.s32 @!p1 $0x1082;
	[sflag:s4] =	ssyncset.s32 $0xFFFFF086  }
0x25: {  	[simem:s6], [sflag:s4] =	dma.local [hbm:s3], $0xF7A  }
0x26: {  	[smem:$0x3F9B] =	sst s1;
	(tag) =	ssettag s2;
	_ =	strace s9  }
0x27: {  	s1 =	sld [smem:$0x3FAB]  }
0x28: {  	s2 =	sld [smem:$0x3FAC]  }
0x29: {  	s4 =	sld [smem:$0x3FAE]  }
0x2a: {  	p0 =	seq.s32 s5, $0x0;
	s5 =	sld [smem:$0x3FAF]  }
0x2b: {  	s6 =	sld [smem:$0x3FB0]  }
0x2c: {  	s7 =	sld [smem:$0x3FB1]  }
0x2d: {  	s3 =	simm.s32 $0x108;
	s8 =	sld [smem:$0x3FB2]  }
0x2e: {  	s3 =	simm.s32 @!p0 $0x1082;
	s9 =	sld [smem:$0x3FB3]  }
0x2f: {  	lr =	sadd.s32 s0, s3;
	s0 =	sld [smem:$0x3FAA]  }
0x30: {  	s3 =	sld [smem:$0x3FAD]  }
0x31: {  	[smem:$0x3FB6] =	sst s10  }
0x32: {  	s10 =	sld [smem:$0x3FB4];
	_ =	sdelay $0x3  }
0x33: {  	p0 =	seq.s32 s10, $0x1;
	s10 =	sld [smem:$0x3FB6];
	_ =	sdelay $0x3  }
0x34: {  	[smem:$0x3FB6] =	sst s10  }
0x35: {  	s10 =	sld [smem:$0x3FB5];
	_ =	sdelay $0x3  }
0x36: {  	p1 =	seq.s32 s10, $0x1;
	s10 =	sld [smem:$0x3FB6];
	_ =	sdelay $0x3  }
0x37: {  	[smem:$0x3FB6] =	sst s10  }
0x38: {  	s10 =	sld [smem:$0x3FB7]  }
0x39: {  	_ = 	snop;
	(pc) =	sbr.ind lr, $3  }
0x3a: {  	_ = 	snop  }
0x3b: {  	_ = 	snop  }
0x3c: {  	p2 =	seq.s32 s10, $0x1;
	s10 =	sld [smem:$0x3FB6]  }
0x3d: {  	_ =	shalt  }
0x3e: {  	_ =	shalt  }
0x3f: {  	_ =	shalt  }
0x40: {  	_ =	shalt  }
0x41: {  	_ =	shalt  }
0x42: {  	_ =	shalt  }
0x43: {  	_ =	shalt  }
0x44: {  	_ =	shalt  }
0x45: {  	_ =	shalt  }
0x46: {  	_ =	shalt  }
0x47: {  	_ =	shalt  }
0x48: {  	_ =	shalt  }
0x49: {  	_ =	shalt  }
0x4a: {  	_ =	shalt  }
0x4b: {  	_ =	shalt  }
0x4c: {  	_ =	shalt  }
0x4d: {  	_ =	shalt  }
0x4e: {  	_ =	shalt  }
0x4f: {  	_ =	shalt  }
0x50: {  	_ =	shalt  }
0x51: {  	_ =	shalt  }
0x52: {  	_ =	shalt  }
0x53: {  	_ =	shalt  }
0x54: {  	_ =	shalt  }
0x55: {  	_ =	shalt  }
0x56: {  	_ =	shalt  }
0x57: {  	_ =	shalt  }
0x58: {  	_ =	shalt  }
0x59: {  	_ =	shalt  }
0x5a: {  	_ =	shalt  }
0x5b: {  	_ =	shalt  }
0x5c: {  	_ =	shalt  }
0x5d: {  	_ =	shalt  }
0x5e: {  	_ =	shalt  }
0x5f: {  	_ =	shalt  }
0x60: {  	_ =	shalt  }
0x61: {  	_ =	shalt  }
0x62: {  	_ =	shalt  }
0x63: {  	_ =	shalt  }
0x64: {  	_ =	shalt  }
0x65: {  	_ =	shalt  }
0x66: {  	_ =	shalt  }
0x67: {  	_ =	shalt  }
0x68: {  	_ =	shalt  }
0x69: {  	_ =	shalt  }
0x6a: {  	_ =	shalt  }
0x6b: {  	_ =	shalt  }
0x6c: {  	_ =	shalt  }
0x6d: {  	_ =	shalt  }
0x6e: {  	_ =	shalt  }
0x6f: {  	_ =	shalt  }
0x70: {  	_ =	shalt  }
0x71: {  	_ =	shalt  }
0x72: {  	_ =	shalt  }
0x73: {  	_ =	shalt  }
0x74: {  	_ =	shalt  }
0x75: {  	_ =	shalt  }
0x76: {  	_ =	shalt  }
0x77: {  	_ =	shalt  }
0x78: {  	_ =	shalt  }
0x79: {  	_ =	shalt  }
0x7a: {  	_ =	shalt  }
0x7b: {  	_ =	shalt  }
0x7c: {  	_ =	shalt  }
0x7d: {  	_ =	shalt  }
0x7e: {  	_ =	shalt  }
0x7f: {  	_ =	shalt  }
0x80: {  	_ =	shalt  }
0x81: {  	_ =	shalt  }
0x82: {  	_ =	shalt  }
0x83: {  	_ =	shalt  }
0x84: {  	_ =	shalt  }
0x85: {  	_ =	shalt  }
0x86: {  	_ =	shalt  }
0x87: {  	_ =	shalt  }
.Lfunc_end0:
.L_simem_size_0:
called_computation_lowered:
.L_overlay_start_0:
0x88: {  	s2 =	sld [smem:$0x3FD9]  }
0x89: {  	s3 =	sld [smem:$0x3FFE];
	_ =	sdelay $0x1  }
0x8a: {  	s1 =	srdreg.scid  }
0x8b: {  	s0 =	sand.u32 $0x1, s1  }
0x8c: {  	s17 =	sshll.u32 s0, $0xA;
	s2 =	sadd.s32 s3, s2  }
0x8d: {  	s2 =	sadd.s32 s2, s17  }
0x8e: {  	[smem:$0x3FC2] =	sst s2  }
0x8f: {  	_ = 	snop  }
0x90: {  	(tm) =	ssettm $0x1  }
0x91: {  	s18 =	sld [smem:$0x3FFB];
	_ =	sdelay $0x3  }
0x92: {  	_ =	strace s18  }
0x93: {  	s2 =	sld [smem:$0x3FFC];
	_ =	sdelay $0x3  }
0x94: {  	_ =	strace s2  }
0x95: {  	s2 =	sld [smem:$0x3FFD];
	_ =	sdelay $0x3  }
0x96: {  	_ =	strace s2  }
0x97: {  	_ =	strace $0x8FFFFFFF  }
0x98: {  	s19 =	sld [smem:$0x3FDB];
	_ =	sdelay $0x1  }
0x99: {  	s20 =	simm.s32 $_scs_section_size  }
0x9a: {  	s4 =	simm.s32 $_size__tile_overlayer_lowered;
	s5 =	simm.s32 $_tile_overlayer_lowered  }
0x9b: {  	s6 =	simm.s32 $0x1BFF;
	s21 =	sshll.u32 s5, $0x1;
	s3 =	sadd.s32 s20, s19  }
0x9c: {  	s22 =	simm.s32 $0x0;
	s4 =	sshll.u32 s4, $0x1;
	s5 =	sadd.s32 s21, s3  }
0x9d: {  	[timem:s22], [sflag:s6] =	dma.local [hbm:s5], s4  }
0x9e: {  	_ =	swait.ge [sflag:s6], s4  }
0x9f: {  	s4 =	ssub.s32 $0x0, s4;
	[sflag:s6] =	ssyncset.done $0x0  }
0xa0: {  	[sflag:s6] =	ssyncadd.s32 s4;
	_ =	sdelay $0x1  }
0xa1: {  	s23 =	simm.s32 $0x1B8B  }
0xa2: {  	_ =	swait.ge [sflag:s23], $0x1  }
0xa3: {  	[sflag:s23] =	ssyncset.done $0x0  }
0xa4: {  	[sflag:s23] =	ssyncadd.s32 $0xFFFFFFFF  }
0xa5: {  	s4 =	sld [smem:$0x0]  }
0xa6: {  	s5 =	sand.u32 $0xFFFFFFFE, s1  }
0xa7: {  	p0 =	sne.s32 s1, s5  }
0xa8: {  	s5 =	sshll.u32 @p0 s5, $0xE  }
0xa9: {  	s5 =	sadd.s32 @p0 $0x11B8D, s5;
	s6 =	sshll.u32 @p0 s4, $0x11  }
0xaa: {  	s5 =	sor.u32 @p0 s6, s5  }
0xab: {  	[sflag:s5] =	ssyncadd.remote.s32 @p0 $0x1;
	_ =	sdelay $0x1  }
0xac: {  	s5 =	simm.s32 @p0 $0x1B8D  }
0xad: {  	_ =	swait.eq @p0 [sflag:s5], $0x1  }
0xae: {  	[sflag:s5] =	ssyncadd.s32 @p0 $0xFFFFFFFF  }
0xaf: {  	s6 =	sshll.u32 @!p0 s1, $0xE  }
0xb0: {  	s6 =	sor.u32 @!p0 $0x4000, s6;
	s5 =	simm.s32 @!p0 $0x1B8D  }
0xb1: {  	s4 =	sshll.u32 @!p0 s4, $0x11;
	s6 =	sadd.s32 @!p0 $0x11B8D, s6;
	_ =	swait.eq @!p0 [sflag:s5], $0x1  }
0xb2: {  	s4 =	sor.u32 @!p0 s4, s6;
	[sflag:s5] =	ssyncadd.s32 @!p0 $0xFFFFFFFF  }
0xb3: {  	s25 =	simm.s32 $0x1B8E;
	s24 =	sld [smem:$0x3FFE];
	[sflag:s4] =	ssyncadd.remote.s32 @!p0 $0x1  }
0xb4: {  	s26 =	simm.s32 $execute0_lowered;
	[smem:$0x3FD2] =	sst s25  }
0xb5: {  	s5 =	sshll.u32 s26, $0x1;
	_ =	strace $0x80000049;
	[dreg:$0x1] =	wrdreg $0xFFFFFFFF  }
0xb6: {  	s28 =	simm.s32 $_size_execute0_lowered;
	s3 =	sadd.s32 s3, s5;
	[dreg:$0x0] =	wrdreg $0x0  }
0xb7: {  	s5 =	sshll.u32 s28, $0x1;
	[dreg:$0x2] =	wrdreg s3  }
0xb8: {  	[dreg:$0x3] =	wrdreg s5  }
0xb9: {  	[dreg:$0x4] =	wrdreg $0xC0  }
0xba: {  	_ =	task [dreg:s22], $0x5FFFF  }
0xbb: {  	[dreg:$0x1] =	wrdreg $0xFFFFFFFF  }
0xbc: {  	[dreg:$0x0] =	wrdreg $0x60  }
0xbd: {  	[dreg:$0x2] =	wrdreg s24  }
0xbe: {  	[dreg:$0x3] =	wrdreg $0x2D800  }
0xbf: {  	[dreg:$0x4] =	wrdreg $0x9  }
0xc0: {  	_ =	task.clear_ibuf [dreg:s22], $0x5FFFF;
	_ =	strace $0x90000049  }
0xc1: {  	s29 =	simm.s32 $0x9;
	_ =	strace $0x8000004B  }
0xc2: {  	_ =	swait.ge [sflag:s29], $0x1  }
0xc3: {  	[sflag:s29] =	ssyncadd.s32 $0xFFFFFFFF  }
0xc4: {  	_ =	strace $0x9000004B  }
0xc5: {  	_ =	sfence  }
0xc6: {  	s30 =	sld [smem:$0x0];
	_ =	sdelay $0x2  }
0xc7: {  	s31 =	sshll.u32 s1, $0xD;
	s1 =	sshrl.u32 s1, $0x2  }
0xc8: {  	s4 =	sand.u32 $0x4000, s31;
	s1 =	sadd.s32 s1, s30  }
0xc9: {  	s0 =	sor.u32 s4, s0;
	s1 =	sshll.u32 s1, $0x11  }
0xca: {  	s0 =	sor.u32 s1, s0  }
0xcb: {  	s0 =	sadd.s32 $0x8F2B, s0  }
0xcc: {  	[sflag:s0] =	ssyncadd.remote.s32 $0x1  }
0xcd: {  	_ =	sfence.sel $0xFFFF  }
0xce: {  	[dreg:$0x0] =	wrdreg $0xFFFFFFFF;
	(pc) =	sbr.abs _section_cstart, $3  }
0xcf: {  	[dreg:$0x1] =	wrdreg $0xFFFFFFFF  }
0xd0: {  	_ =	task.clear_ibuf [dreg:s22], $0x2FFFF;
	_ =	strace $0x9FFFFFFF  }
0xd1: {  	(tm) =	ssettm $0x7FFFFFFF  }
tec
execute0_lowered:
.L_overlay_start_1:
0x0: {  	(tag) =	ssettag $0x1  }
0x1: {  	s4 =	rddreg [dreg:$0x0]  }
0x2: {  	s2 =	rddreg [dreg:$0x1]  }
0x3: {  	s0 =	rddreg [dreg:$0x2]  }
0x4: {  	s5 =	srdreg.scid;
	s3 =	simm.s32 $0x0;
	s1 =	stileid.u32  }
0x5: {  	s11 =	simm.s32 $0x2800;
	s5 =	sand.u32 $0x1, s5;
	s30 =	smul.u32 $0x2780, s1  }
0x6: {  	s6 =	sshll.u32 s1, $0x8;
	[smem:$0x7FF] =	sst s3;
	s9 =	smul.u32 $0x9E00, s1  }
0x7: {  	s12 =	sshll.u32 s1, $0x6;
	s7 =	sshll.u32 s5, $0x7;
	s8 =	smul.u32 $0x27800, s5  }
0x8: {  	_ =	strace $0x8000004A;
	s5 =	ssub.s32 $0x2, s5;
	s12 =	sor.u32 $0x1C01, s12  }
0x9: {  	s6 =	sor.u32 s7, s6;
	s10 =	sshrl.u32 s5, $0x1;
	s31 =	sshrl.u32 s9, $0x2  }
0xa: {  	s13 =	sadd.s32 s30, s2;
	s9 =	simm.s32 $0x1;
	s6 =	smul.u32 $0xA, s6  }
0xb: {  	s8 =	sadd.s32 s30, s8;
	s10 =	ssub.s32 s5, s10;
	s13 =	sshrl.u32 s13, $0x3  }
0xc: {  	s8 =	sshrl.u32 s8, $0x3;
	s7 =	smax.u32 s10, $0x1;
	s10 =	simm.s32 $0x50  }
0xd: {  	s6 =	sadd.s32 s6, s4;
	s8 =	sadd.s32 s8, s4;
	s4 =	sadd.s32 s31, s2  }
0xe: {  	v0 =	vimm.f32 $1.000000000e+00;
	v1 =	vimm.f32 $0.0e+00;
	s5 =	sadd.s32 $0xC400, s6;
	s6 =	sadd.s32 $0x16400, s8;
	s8 =	simm.s32 $0x2D00  }
.LBB2_1:
0xf: {  	s14 =	simm.s32 $0x40;
	s15 =	simm.s32 $0x0  }
.LBB2_2:
0x10: {  	p0 =	sne.s32 s14, $0x13C0;
	[tilespmem:s15+$0x2800] =	vst v0;
	s15 =	smov.u32 s14;
	s14 =	sadd.s32 $0x40, s14  }
.Ltmp0:
0x11: {  	(pc) =	sbr.rel @p0 .LBB2_2-.Ltmp0, $2  }
0x12: {  	_ =	sdelay $0x2  }
0x13: {  	s15 =	sshra.s32 s15, $0x2  }
0x14: {  	[tilespmem:s15+$0x2800] =	vst v0  }
0x15: {  	[tilespmem:$0x2D00] =	vst v1  }
0x16: {  	[tilespmem:$0x2D10] =	vst v1  }
0x17: {  	[tilespmem:$0x2D20] =	vst v1  }
0x18: {  	[tilespmem:$0x2D30] =	vst v1  }
0x19: {  	[tilespmem:$0x2D40] =	vst v1  }
0x1a: {  	[tilespmem:$0x2D50] =	vst v1  }
0x1b: {  	[tilespmem:$0x2D60] =	vst v1  }
0x1c: {  	s14 =	sadd.s32 $0x0, s4;
	[tilespmem:$0x2D70] =	vst v1  }
0x1d: {  	[spmem:s14] =	stream.linear.scatter [tilespmem:s8], [sflag:$0x1], $0x80, $0x38;
	[tilespmem:$0x5500] =	vst v63  }
0x1e: {  	s14 =	simm.s32 $0x200;
	_ =	swait.ge [sflag:s9], $0x80  }
.LBB2_4:
0x1f: {  	s15 =	sshra.s32 s14, $0x2;
	[sflag:s9] =	ssyncset.done $0x0;
	p0 =	sne.s32 s14, $0x9C00  }
.Ltmp1:
0x20: {  	s15 =	sadd.s32 s15, s4;
	[sflag:s9] =	ssyncadd.s32 $0xFFFFFF80;
	(pc) =	sbr.rel @p0 .LBB2_4-.Ltmp1, $3  }
0x21: {  	[spmem:s15] =	stream.linear.scatter [tilespmem:s8], [sflag:$0x1], $0x80, $0x38;
	[tilespmem:$0x5500] =	vst v63  }
0x22: {  	s14 =	sadd.s32 $0x200, s14;
	_ =	sdelay $0x1  }
0x23: {  	_ =	swait.ge [sflag:s9], $0x80  }
0x24: {  	[sflag:s9] =	ssyncset.done $0x0  }
0x25: {  	[sflag:s9] =	ssyncadd.s32 $0xFFFFFF80  }
0x26: {  	s14 =	simm.s32 $0x0;
	[bflag:$0x0] =	sbarrier.arrive $0xFFFF  }
0x27: {  	[tilespmem:s14], [sflag:$0x1] =	stream.linear.gather [hbm4b:s5+s14], $0x2800, $0x38;
	[tilespmem:$0x5500] =	vst v63  }
0x28: {  	_ =	swait.ge [sflag:s9], $0x2800  }
0x29: {  	[sflag:s9] =	ssyncset.done $0x0  }
0x2a: {  	s31 =	simm.s32 $0x0;
	[sflag:s9] =	ssyncadd.s32 $0xFFFFD800  }
0x2b: {  	[spmem:s2] =	stream.indirect.scatter.add.f32 [tilespmem:s11], [sflag:$0x1], $0x10, s31, s10, $0xb8;
	[tilespmem:$0x5500] =	vst v63  }
0x2c: {  	_ =	swait.ge [sflag:s9], $0x500  }
0x2d: {  	s14 =	simm.s32 $0x140;
	[sflag:s9] =	ssyncset.done $0x0  }
.LBB2_6:
0x2e: {  	s15 =	sshra.s32 s14, $0x2;
	[sflag:s9] =	ssyncadd.s32 $0xFFFFFB00;
	p0 =	sne.s32 s14, $0x9EC0  }
0x2f: {  	[spmem:s2] =	stream.indirect.scatter.add.f32 [tilespmem:s11], [sflag:$0x1], $0x10, s15, s10, $0xb8;
	[tilespmem:$0x5500] =	vst v63  }
.Ltmp2:
0x30: {  	_ = 	snop;
	(pc) =	sbr.rel @p0 .LBB2_6-.Ltmp2, $4  }
0x31: {  	_ = 	snop  }
0x32: {  	s14 =	sadd.s32 $0x140, s14  }
0x33: {  	_ =	swait.ge [sflag:s9], $0x500  }
0x34: {  	[sflag:s9] =	ssyncset.done $0x0  }
0x35: {  	s3 =	sadd.s32 $0x1, s3  }
0x36: {  	[sflag:s9] =	ssyncadd.s32 $0xFFFFFB00;
	p0 =	sne.s32 s3, s7  }
.Ltmp3:
0x37: {  	[bflag:$0x0] =	sbarrier.arrive $0xFFFF;
	(pc) =	sbr.rel @p0 .LBB2_1-.Ltmp3, $4  }
0x38: {  	[hbm:s6], [sflag:s12] =	dma.local [spmem:s13], $0x4F0  }
0x39: {  	_ =	swait.ge [sflag:s9], $0x4F0  }
0x3a: {  	[sflag:s9] =	ssyncset.done $0x0  }
0x3b: {  	[sflag:s9] =	ssyncadd.s32 $0xFFFFFB10  }
0x3c: {  	_ =	sfence.sel $0x180000  }
0x3d: {  	[bflag:$0x0] =	sbarrier.arrive $0xFFFF  }
0x3e: {  	p0 =	sne.s32 s1, $0x0;
	_ =	strace $0x9000004A  }
0x3f: {  	s0 =	sadd.s32 @!p0 $0x100000, s0;
	[bflag:$0x2] =	sbarrier.arrive $0xFFFF  }
0x40: {  	[sflag:s0] =	ssyncadd.tile.s32 @!p0 $0x1;
	_ =	shalt  }
.Lfunc_end2:
_tile_overlayer_lowered:
.L_overlay_start_2:
0x41: {  	(tag) =	ssettag $0x2  }
0x42: {  	s0 =	rddreg [dreg:$0x0];
	s2 =	stileid.u32  }
0x43: {  	s1 =	rddreg [dreg:$0x1];
	p0 =	sne.s32 s2, $0x0  }
0x44: {  	s3 =	rddreg [dreg:$0x2];
	[bflag:$0x3] =	sbarrier.arrive $0xFFFF;
	s2 =	simm.s32 @!p0 $0x1C01  }
0x45: {  	[timem:s3], [sflag:s2] =	dma.local @!p0 [hbm:s0], s1  }
0x46: {  	s0 =	simm.s32 @!p0 $0x1  }
0x47: {  	_ =	swait.ge @!p0 [sflag:s0], s1  }
0x48: {  	s1 =	ssub.s32 @!p0 $0x0, s1;
	[sflag:s0] =	ssyncset.done @!p0 $0x0  }
0x49: {  	[sflag:s0] =	ssyncadd.s32 @!p0 s1  }
0x4a: {  	[bflag:$0x3] =	sbarrier.arrive $0xFFFF  }
0x4b: {  	_ =	shalt  }

</sc_bundles>
